<compile_context>
chip_gen: v7x
topology: tpu7x:2x2x1
jax: 0.10.2.dev20260603
libtpu: 0.0.44.dev20260713+nightly
codegen_flags: <defaults>
</compile_context>

<pallas_src>
import functools

import jax
import jax.numpy as jnp
from jax import lax
from jax.experimental import pallas as pl
from jax.experimental.pallas import tpu as pltpu
from jax.experimental.pallas import tpu_sc as plsc

N_NODES = 10000
N_EDGES = 320000
D = 128
G = 64

NC = 2
NS = 16
NW = NC * NS

NPAD = 10240
EPAD = 327680
NCHUNKS = EPAD // 128
N0 = 80
N1 = 80
IBLK = 40
ROWS_PER_TILE = NPAD // NS

_SC_MESH = plsc.VectorSubcoreMesh(
    core_axis_name="c", subcore_axis_name="s", num_cores=NC, num_subcores=NS
)


def _chunk_range(c, s):
    n = jnp.where(c == 0, N0, N1)
    start = jnp.where(c == 0, s * N0, NS * N0 + s * N1)
    return start, n


def _deg_body(dst_hbm, zeros1_hbm, deg_out, idx_v, ones_v, deg_sh, sem):
    c = lax.axis_index("c")
    s = lax.axis_index("s")
    w = s * NC + c
    dchunks = NCHUNKS // NW

    pltpu.sync_copy(zeros1_hbm, deg_sh.at[pl.ds(s * ROWS_PER_TILE, ROWS_PER_TILE)])

    for k in range(8):
        ones_v[pl.ds(k * 16, 16)] = jnp.ones((16,), jnp.float32)

    pltpu.sync_copy(dst_hbm.at[pl.ds(w * dchunks, dchunks)], idx_v)
    plsc.subcore_barrier()

    def body(j, carry):
        pltpu.sync_copy(ones_v, deg_sh.at[idx_v.at[j]], add=True)
        return carry

    lax.fori_loop(0, dchunks, body, 0)
    plsc.subcore_barrier()

    pltpu.sync_copy(
        deg_sh.at[pl.ds(s * ROWS_PER_TILE, ROWS_PER_TILE)],
        deg_out.at[c, pl.ds(s * ROWS_PER_TILE, ROWS_PER_TILE)],
    )


_deg_call = pl.kernel(
    _deg_body,
    out_type=jax.ShapeDtypeStruct((NC, NPAD), jnp.float32),
    mesh=_SC_MESH,
    scratch_types=[
        pltpu.VMEM((NCHUNKS // NW, 128), jnp.int32),
        pltpu.VMEM((128,), jnp.float32),
        pltpu.VMEM_SHARED((NPAD,), jnp.float32),
        pltpu.SemaphoreType.DMA,
    ],
)


def _edge_body(p_hbm, src_hbm, dst_hbm, zeros2_hbm, acc_out,
               sidx_v, didx_v, rows0_v, rows1_v, acc_sh, sem0, sem1):
    c = lax.axis_index("c")
    s = lax.axis_index("s")
    start, n = _chunk_range(c, s)

    pltpu.sync_copy(zeros2_hbm, acc_sh.at[pl.ds(s * ROWS_PER_TILE, ROWS_PER_TILE)])
    plsc.subcore_barrier()

    rows = (rows0_v, rows1_v)
    sems = (sem0, sem1)

    def block(bi, carry):
        pltpu.sync_copy(src_hbm.at[pl.ds(start + bi * IBLK, IBLK)], sidx_v)
        pltpu.sync_copy(dst_hbm.at[pl.ds(start + bi * IBLK, IBLK)], didx_v)

        pltpu.async_copy(p_hbm.at[sidx_v.at[0]], rows0_v, sem0)
        pltpu.async_copy(p_hbm.at[sidx_v.at[1]], rows1_v, sem1)

        def group(g, c2):
            for b in range(2):
                j = g * 2 + b
                pltpu.make_async_copy(
                    p_hbm.at[sidx_v.at[0]], rows[b], sems[b]
                ).wait()
                pltpu.sync_copy(rows[b], acc_sh.at[didx_v.at[j]], add=True)

                nxt = j + 2

                @pl.when(nxt < IBLK)
                def _():
                    pltpu.async_copy(
                        p_hbm.at[sidx_v.at[nxt]], rows[b], sems[b]
                    )

            return c2

        lax.fori_loop(0, IBLK // 2, group, 0)
        return carry

    lax.fori_loop(0, n // IBLK, block, 0)
    plsc.subcore_barrier()

    pltpu.sync_copy(
        acc_sh.at[pl.ds(s * ROWS_PER_TILE, ROWS_PER_TILE)],
        acc_out.at[c, pl.ds(s * ROWS_PER_TILE, ROWS_PER_TILE)],
    )


_edge_call = pl.kernel(
    _edge_body,
    out_type=jax.ShapeDtypeStruct((NC, NPAD, D), jnp.float32),
    mesh=_SC_MESH,
    scratch_types=[
        pltpu.VMEM((IBLK, 128), jnp.int32),
        pltpu.VMEM((IBLK, 128), jnp.int32),
        pltpu.VMEM((128, D), jnp.float32),
        pltpu.VMEM((128, D), jnp.float32),
        pltpu.VMEM_SHARED((NPAD, D), jnp.float32),
        pltpu.SemaphoreType.DMA,
        pltpu.SemaphoreType.DMA,
    ],
)


def _dinv_from(degT_ref):
    deg = 1.0 + degT_ref[:, 0:1] + degT_ref[:, 1:2]
    return lax.rsqrt(deg)


def _tc1_body(x_ref, w1_ref, degT_ref, p1_ref):
    dinv = _dinv_from(degT_ref)
    h = jnp.dot(x_ref[...], w1_ref[...], preferred_element_type=jnp.float32)
    p1_ref[...] = dinv * h


def _tc2_body(accp_ref, p1_ref, degT_ref, w2_ref, b1_ref, p2_ref):
    dinv = _dinv_from(degT_ref)
    acc = accp_ref[0] + accp_ref[1] + p1_ref[...]
    h1 = jnp.maximum(dinv * acc + b1_ref[...], 0.0)
    h2 = jnp.dot(h1, w2_ref[...], preferred_element_type=jnp.float32)
    p2_ref[...] = dinv * h2


def _tc3_body(accp_ref, p2_ref, degT_ref, b2_ref, batch_ref, wh_ref, bh_ref,
              out_ref):
    dinv = _dinv_from(degT_ref)
    acc = accp_ref[0] + accp_ref[1] + p2_ref[...]
    h2 = jnp.maximum(dinv * acc + b2_ref[...], 0.0)
    gids = lax.broadcasted_iota(jnp.int32, (G, NPAD), 0)
    m = (batch_ref[...] == gids).astype(jnp.float32)
    ssum = jnp.dot(m, h2, preferred_element_type=jnp.float32)
    cnt = jnp.sum(m, axis=1, keepdims=True)
    emb = ssum / jnp.maximum(cnt, 1.0)
    out_ref[...] = (
        jnp.dot(emb, wh_ref[...], preferred_element_type=jnp.float32)
        + bh_ref[...]
    )


_tc1_call = pl.pallas_call(
    _tc1_body, out_shape=jax.ShapeDtypeStruct((NPAD, D), jnp.float32)
)
_tc2_call = pl.pallas_call(
    _tc2_body, out_shape=jax.ShapeDtypeStruct((NPAD, D), jnp.float32)
)
_tc3_call = pl.pallas_call(
    _tc3_body, out_shape=jax.ShapeDtypeStruct((G, 2), jnp.float32)
)


@jax.jit
def kernel(x, edge_index, batch, W1, b1, W2, b2, Wh, bh):
    src = edge_index[0].astype(jnp.int32)
    dst = edge_index[1].astype(jnp.int32)
    batch = batch.astype(jnp.int32)

    pad_e = N_NODES + (jnp.arange(EPAD - N_EDGES, dtype=jnp.int32)
                       % (NPAD - N_NODES))
    src_w = jnp.concatenate([src, pad_e]).reshape(NCHUNKS, 128)
    dst_w = jnp.concatenate([dst, pad_e]).reshape(NCHUNKS, 128)

    x_pad = jnp.concatenate(
        [x, jnp.zeros((NPAD - N_NODES, D), jnp.float32)], axis=0
    )
    batch_pad = jnp.concatenate(
        [batch, jnp.full((NPAD - N_NODES,), G, jnp.int32)]
    ).reshape(1, NPAD)

    zeros1 = jnp.zeros((ROWS_PER_TILE,), jnp.float32)
    zeros2 = jnp.zeros((ROWS_PER_TILE, D), jnp.float32)

    degp = _deg_call(dst_w, zeros1)
    degT = jnp.transpose(degp)

    p1 = _tc1_call(x_pad, W1, degT)
    acc1 = _edge_call(p1, src_w, dst_w, zeros2)
    p2 = _tc2_call(acc1, p1, degT, W2, b1.reshape(1, D))
    acc2 = _edge_call(p2, src_w, dst_w, zeros2)
    logits = _tc3_call(
        acc2, p2, degT, b2.reshape(1, D), batch_pad, Wh, bh.reshape(1, 2)
    )
    return logits

# --- scband reference (transcript-rebuilt; emitter-appended) ---
"""Pipeline reference for scband-gnnclassifier-37245956391181 (READ-ONLY COPY).

The authoritative reference and input builder live on the scoring server;
editing this copy changes nothing except your own understanding.
"""

import jax, jax.numpy as jnp
import numpy as np

N_NODES = 10000
N_EDGES = 320000
D_IN = 128
D_HID = 128
N_GRAPHS = 64


def setup_inputs(seed: int = 0) -> dict:
    key = jax.random.key(seed)
    ks = jax.random.split(key, 10)
    x = jax.random.normal(ks[0], (N_NODES, D_IN), dtype=jnp.float32)
    edge_index = jax.random.randint(ks[1], (2, N_EDGES), 0, N_NODES, dtype=jnp.int64)
    batch = jnp.sort(jax.random.randint(ks[2], (N_NODES,), 0, N_GRAPHS, dtype=jnp.int64))
    # GCNConv layer 1 params (glorot-ish init)
    W1 = jax.random.normal(ks[3], (D_IN, D_HID), dtype=jnp.float32) * (1.0 / np.sqrt(D_IN))
    b1 = jnp.zeros((D_HID,), dtype=jnp.float32)
    # GCNConv layer 2 params
    W2 = jax.random.normal(ks[4], (D_HID, D_HID), dtype=jnp.float32) * (1.0 / np.sqrt(D_HID))
    b2 = jnp.zeros((D_HID,), dtype=jnp.float32)
    # classification head (hidden_dim -> 2, no codebert fusion)
    Wh = jax.random.normal(ks[5], (D_HID, 2), dtype=jnp.float32) * (1.0 / np.sqrt(D_HID))
    bh = jnp.zeros((2,), dtype=jnp.float32)
    return {"x": x, "edge_index": edge_index, "batch": batch,
            "W1": W1, "b1": b1, "W2": W2, "b2": b2, "Wh": Wh, "bh": bh}


def _gcn_conv(x, src, dst, W, b, num_nodes):
    # PyG GCNConv: add self loops, symmetric normalization, linear, scatter-add, bias
    loop = jnp.arange(num_nodes, dtype=src.dtype)
    s = jnp.concatenate([src, loop])
    d = jnp.concatenate([dst, loop])
    ew = jnp.ones(s.shape[0], dtype=x.dtype)
    deg = jnp.zeros((num_nodes,), dtype=x.dtype).at[d].add(ew)
    deg_inv_sqrt = jnp.where(deg > 0, deg ** -0.5, 0.0)
    norm = deg_inv_sqrt[s] * deg_inv_sqrt[d]
    h = x @ W
    msg = h[s] * norm[:, None]
    out = jnp.zeros((num_nodes, h.shape[1]), dtype=x.dtype).at[d].add(msg)
    return out + b[None, :]


def _global_mean_pool(x, batch, num_graphs):
    summed = jax.ops.segment_sum(x, batch, num_segments=num_graphs)
    counts = jax.ops.segment_sum(jnp.ones((x.shape[0],), dtype=x.dtype), batch, num_segments=num_graphs)
    counts = jnp.clip(counts, 1.0, None)
    return summed / counts[:, None]


def reference(x, edge_index, batch, W1, b1, W2, b2, Wh, bh):
    src, dst = edge_index[0], edge_index[1]
    h = _gcn_conv(x, src, dst, W1, b1, N_NODES)
    h = jax.nn.relu(h)
    # dropout p=0.0 -> identity (eval mode)
    h = _gcn_conv(h, src, dst, W2, b2, N_NODES)
    h = jax.nn.relu(h)
    gnn_emb = _global_mean_pool(h, batch, N_GRAPHS)
    logits = gnn_emb @ Wh + bh[None, :]
    return logits

if __name__ == "__main__":
    import jax
    _d = setup_inputs()
    print(jax.jit(kernel)(*tuple(_d.values())))

</pallas_src>

<mosaic_0001>
#map = affine_map<(d0, d1) -> (0, 0)>
#map1 = affine_map<(d0, d1) -> (0)>
module attributes {stable_mosaic.version = 14 : i64} {
  func.func @_deg_body(%arg0: i32, %arg1: i32, %arg2: memref<2560x128xi32, #tpu.memory_space<hbm>>, %arg3: memref<640xf32, #tpu.memory_space<hbm>>, %arg4: memref<2x10240xf32, #tpu.memory_space<hbm>>, %arg5: memref<80x128xi32, #tpu.memory_space<vmem>>, %arg6: memref<128xf32, #tpu.memory_space<vmem>>, %arg7: memref<10240xf32, #tpu.memory_space<vmem_shared>>, %arg8: memref<!tpu.dma_semaphore, #tpu.memory_space<semaphore_mem>>) attributes {dimension_semantics = [#tpu.dimension_semantics<core_parallel>, #tpu.dimension_semantics<subcore_parallel>], iteration_bounds = array<i64: 2, 16>, scalar_prefetch = 0 : i64, scratch_operands = 4 : i64, tpu.core_type = #tpu.core_type<sc_vector_subcore>, window_params = [{transform_indices = #map}, {transform_indices = #map1}, {transform_indices = #map}]} {
    %mul3A = arith.constant 2 : i32
    %mul3A_0 = arith.muli %arg1, %mul3A : i32
    %add3A = arith.addi %mul3A_0, %arg0 : i32
    %mul3A_1 = arith.constant 640 : i32
    %mul3A_2 = arith.muli %arg1, %mul3A_1 : i32
    "tpu.region"() ({
      %run_scoped3A = tpu.sem_alloc : memref<!tpu.dma_semaphore, #tpu.memory_space<semaphore_mem>>
      %dma_start3A = tpu.memref_slice %arg7[%mul3A_2] : memref<10240xf32, #tpu.memory_space<vmem_shared>> -> memref<640xf32, #tpu.memory_space<vmem_shared>>
      tpu.enqueue_dma source(%arg3 : memref<640xf32, #tpu.memory_space<hbm>>) target(%dma_start3A : memref<640xf32, #tpu.memory_space<vmem_shared>>) target_semaphore(%run_scoped3A : memref<!tpu.dma_semaphore, #tpu.memory_space<semaphore_mem>>)
      %dma_wait3A = tpu.memref_slice %arg7[%mul3A_2] : memref<10240xf32, #tpu.memory_space<vmem_shared>> -> memref<640xf32, #tpu.memory_space<vmem_shared>>
      tpu.wait_dma2 semaphore(%run_scoped3A : memref<!tpu.dma_semaphore, #tpu.memory_space<semaphore_mem>>) src(%arg3 : memref<640xf32, #tpu.memory_space<hbm>>) dst(%dma_wait3A : memref<640xf32, #tpu.memory_space<vmem_shared>>)
      tpu.yield
    }) : () -> ()
    %broadcast_in_dim3A = arith.constant 1.000000e+00 : f32
    %broadcast_in_dim3A_3 = vector.broadcast %broadcast_in_dim3A : f32 to vector<16xf32>
    %swap3A = arith.constant 0 : index
    %swap3A_4 = tpu.vector_load %arg6[%swap3A] {strides = array<i32>} : memref<128xf32, #tpu.memory_space<vmem>>, vector<16xf32>,
    %swap3A_5 = vector.shape_cast %swap3A_4 : vector<16xf32> to vector<16xf32>
    %swap3A_6 = vector.shape_cast %broadcast_in_dim3A_3 : vector<16xf32> to vector<16xf32>
    tpu.vector_store %arg6[%swap3A], %swap3A_6 {strides = array<i32>} : memref<128xf32, #tpu.memory_space<vmem>>, vector<16xf32>,
    %broadcast_in_dim3A_7 = arith.constant 1.000000e+00 : f32
    %broadcast_in_dim3A_8 = vector.broadcast %broadcast_in_dim3A_7 : f32 to vector<16xf32>
    %swap3A_9 = arith.constant 16 : index
    %swap3A_10 = tpu.vector_load %arg6[%swap3A_9] {strides = array<i32>} : memref<128xf32, #tpu.memory_space<vmem>>, vector<16xf32>,
    %swap3A_11 = vector.shape_cast %swap3A_10 : vector<16xf32> to vector<16xf32>
    %swap3A_12 = vector.shape_cast %broadcast_in_dim3A_8 : vector<16xf32> to vector<16xf32>
    tpu.vector_store %arg6[%swap3A_9], %swap3A_12 {strides = array<i32>} : memref<128xf32, #tpu.memory_space<vmem>>, vector<16xf32>,
    %broadcast_in_dim3A_13 = arith.constant 1.000000e+00 : f32
    %broadcast_in_dim3A_14 = vector.broadcast %broadcast_in_dim3A_13 : f32 to vector<16xf32>
    %swap3A_15 = arith.constant 32 : index
    %swap3A_16 = tpu.vector_load %arg6[%swap3A_15] {strides = array<i32>} : memref<128xf32, #tpu.memory_space<vmem>>, vector<16xf32>,
    %swap3A_17 = vector.shape_cast %swap3A_16 : vector<16xf32> to vector<16xf32>
    %swap3A_18 = vector.shape_cast %broadcast_in_dim3A_14 : vector<16xf32> to vector<16xf32>
    tpu.vector_store %arg6[%swap3A_15], %swap3A_18 {strides = array<i32>} : memref<128xf32, #tpu.memory_space<vmem>>, vector<16xf32>,
    %broadcast_in_dim3A_19 = arith.constant 1.000000e+00 : f32
    %broadcast_in_dim3A_20 = vector.broadcast %broadcast_in_dim3A_19 : f32 to vector<16xf32>
    %swap3A_21 = arith.constant 48 : index
    %swap3A_22 = tpu.vector_load %arg6[%swap3A_21] {strides = array<i32>} : memref<128xf32, #tpu.memory_space<vmem>>, vector<16xf32>,
    %swap3A_23 = vector.shape_cast %swap3A_22 : vector<16xf32> to vector<16xf32>
    %swap3A_24 = vector.shape_cast %broadcast_in_dim3A_20 : vector<16xf32> to vector<16xf32>
    tpu.vector_store %arg6[%swap3A_21], %swap3A_24 {strides = array<i32>} : memref<128xf32, #tpu.memory_space<vmem>>, vector<16xf32>,
    %broadcast_in_dim3A_25 = arith.constant 1.000000e+00 : f32
    %broadcast_in_dim3A_26 = vector.broadcast %broadcast_in_dim3A_25 : f32 to vector<16xf32>
    %swap3A_27 = arith.constant 64 : index
    %swap3A_28 = tpu.vector_load %arg6[%swap3A_27] {strides = array<i32>} : memref<128xf32, #tpu.memory_space<vmem>>, vector<16xf32>,
    %swap3A_29 = vector.shape_cast %swap3A_28 : vector<16xf32> to vector<16xf32>
    %swap3A_30 = vector.shape_cast %broadcast_in_dim3A_26 : vector<16xf32> to vector<16xf32>
    tpu.vector_store %arg6[%swap3A_27], %swap3A_30 {strides = array<i32>} : memref<128xf32, #tpu.memory_space<vmem>>, vector<16xf32>,
    %broadcast_in_dim3A_31 = arith.constant 1.000000e+00 : f32
    %broadcast_in_dim3A_32 = vector.broadcast %broadcast_in_dim3A_31 : f32 to vector<16xf32>
    %swap3A_33 = arith.constant 80 : index
    %swap3A_34 = tpu.vector_load %arg6[%swap3A_33] {strides = array<i32>} : memref<128xf32, #tpu.memory_space<vmem>>, vector<16xf32>,
    %swap3A_35 = vector.shape_cast %swap3A_34 : vector<16xf32> to vector<16xf32>
    %swap3A_36 = vector.shape_cast %broadcast_in_dim3A_32 : vector<16xf32> to vector<16xf32>
    tpu.vector_store %arg6[%swap3A_33], %swap3A_36 {strides = array<i32>} : memref<128xf32, #tpu.memory_space<vmem>>, vector<16xf32>,
    %broadcast_in_dim3A_37 = arith.constant 1.000000e+00 : f32
    %broadcast_in_dim3A_38 = vector.broadcast %broadcast_in_dim3A_37 : f32 to vector<16xf32>
    %swap3A_39 = arith.constant 96 : index
    %swap3A_40 = tpu.vector_load %arg6[%swap3A_39] {strides = array<i32>} : memref<128xf32, #tpu.memory_space<vmem>>, vector<16xf32>,
    %swap3A_41 = vector.shape_cast %swap3A_40 : vector<16xf32> to vector<16xf32>
    %swap3A_42 = vector.shape_cast %broadcast_in_dim3A_38 : vector<16xf32> to vector<16xf32>
    tpu.vector_store %arg6[%swap3A_39], %swap3A_42 {strides = array<i32>} : memref<128xf32, #tpu.memory_space<vmem>>, vector<16xf32>,
    %broadcast_in_dim3A_43 = arith.constant 1.000000e+00 : f32
    %broadcast_in_dim3A_44 = vector.broadcast %broadcast_in_dim3A_43 : f32 to vector<16xf32>
    %swap3A_45 = arith.constant 112 : index
    %swap3A_46 = tpu.vector_load %arg6[%swap3A_45] {strides = array<i32>} : memref<128xf32, #tpu.memory_space<vmem>>, vector<16xf32>,
    %swap3A_47 = vector.shape_cast %swap3A_46 : vector<16xf32> to vector<16xf32>
    %swap3A_48 = vector.shape_cast %broadcast_in_dim3A_44 : vector<16xf32> to vector<16xf32>
    tpu.vector_store %arg6[%swap3A_45], %swap3A_48 {strides = array<i32>} : memref<128xf32, #tpu.memory_space<vmem>>, vector<16xf32>,
    %mul3A_49 = arith.constant 80 : i32
    %mul3A_50 = arith.muli %add3A, %mul3A_49 : i32
    "tpu.region"() ({
      %run_scoped3A = tpu.sem_alloc : memref<!tpu.dma_semaphore, #tpu.memory_space<semaphore_mem>>
      %dma_start3A = arith.constant 0 : i32
      %dma_start3A_61 = tpu.memref_slice %arg2[%mul3A_50, %dma_start3A] : memref<2560x128xi32, #tpu.memory_space<hbm>> -> memref<80x128xi32, #tpu.memory_space<hbm>>
      %dma_start3A_62 = arith.constant 0 : i32
      %dma_start3A_63 = tpu.memref_slice %arg2[%mul3A_50, %dma_start3A_62] : memref<2560x128xi32, #tpu.memory_space<hbm>> -> memref<80x128xi32, #tpu.memory_space<hbm>>
      tpu.enqueue_dma source(%dma_start3A_63 : memref<80x128xi32, #tpu.memory_space<hbm>>) target(%arg5 : memref<80x128xi32, #tpu.memory_space<vmem>>) target_semaphore(%run_scoped3A : memref<!tpu.dma_semaphore, #tpu.memory_space<semaphore_mem>>)
      %dma_wait3A = arith.constant 0 : i32
      %dma_wait3A_64 = tpu.memref_slice %arg2[%mul3A_50, %dma_wait3A] : memref<2560x128xi32, #tpu.memory_space<hbm>> -> memref<80x128xi32, #tpu.memory_space<hbm>>
      %dma_wait3A_65 = arith.constant 0 : i32
      %dma_wait3A_66 = tpu.memref_slice %arg2[%mul3A_50, %dma_wait3A_65] : memref<2560x128xi32, #tpu.memory_space<hbm>> -> memref<80x128xi32, #tpu.memory_space<hbm>>
      tpu.wait_dma2 semaphore(%run_scoped3A : memref<!tpu.dma_semaphore, #tpu.memory_space<semaphore_mem>>) src(%dma_wait3A_66 : memref<80x128xi32, #tpu.memory_space<hbm>>) dst(%arg5 : memref<80x128xi32, #tpu.memory_space<vmem>>)
      tpu.yield
    }) : () -> ()
    %barrier3A = arith.constant 0 : index
    tpu.barrier barrier_id(%barrier3A)
    %scan3A = arith.constant 0 : i32
    %scan3A_51 = arith.constant 0 : i32
    %scan3A_52 = arith.constant 80 : i32
    %scan3A_53 = arith.addi %scan3A_51, %scan3A_52 : i32
    %scan3A_54 = arith.constant 1 : i32
    scf.for %scan3A_61 = %scan3A_51 to %scan3A_53 step %scan3A_54  : i32 {
      "tpu.region"() ({
        %run_scoped3A = tpu.sem_alloc : memref<!tpu.dma_semaphore, #tpu.memory_space<semaphore_mem>>
        %dma_start3A = arith.constant 0 : i32
        %dma_start3A_62 = tpu.memref_slice %arg5[%scan3A_61, %dma_start3A] : memref<80x128xi32, #tpu.memory_space<vmem>> -> memref<1x128xi32, #tpu.memory_space<vmem>>
        %dma_start3A_63 = tpu.memref_squeeze %dma_start3A_62 : memref<1x128xi32, #tpu.memory_space<vmem>> -> memref<128xi32, #tpu.memory_space<vmem>>
        %dma_start3A_64 = arith.constant 0 : i32
        %dma_start3A_65 = tpu.memref_slice %arg7[%dma_start3A_64] : memref<10240xf32, #tpu.memory_space<vmem_shared>> -> memref<10240xf32, #tpu.memory_space<vmem_shared>>
        tpu.enqueue_indirect_dma source(%arg6 : memref<128xf32, #tpu.memory_space<vmem>>) target(%dma_start3A_65 : memref<10240xf32, #tpu.memory_space<vmem_shared>>) offsets(%dma_start3A_63 : memref<128xi32, #tpu.memory_space<vmem>>) semaphore(%run_scoped3A : memref<!tpu.dma_semaphore, #tpu.memory_space<semaphore_mem>>) {add = true}
        %dma_wait3A = arith.constant 0 : i32
        %dma_wait3A_66 = tpu.memref_slice %arg5[%scan3A_61, %dma_wait3A] : memref<80x128xi32, #tpu.memory_space<vmem>> -> memref<1x128xi32, #tpu.memory_space<vmem>>
        %dma_wait3A_67 = tpu.memref_squeeze %dma_wait3A_66 : memref<1x128xi32, #tpu.memory_space<vmem>> -> memref<128xi32, #tpu.memory_space<vmem>>
        %dma_wait3A_68 = arith.constant 0 : i32
        %dma_wait3A_69 = tpu.memref_slice %arg7[%dma_wait3A_68] : memref<10240xf32, #tpu.memory_space<vmem_shared>> -> memref<10240xf32, #tpu.memory_space<vmem_shared>>
        tpu.wait_indirect_dma semaphore(%run_scoped3A : memref<!tpu.dma_semaphore, #tpu.memory_space<semaphore_mem>>) src(%arg6 : memref<128xf32, #tpu.memory_space<vmem>>) dst(%dma_wait3A_69 : memref<10240xf32, #tpu.memory_space<vmem_shared>>)
        tpu.yield
      }) : () -> ()
    }
    %scan3A_55 = arith.constant 80 : i32
    %barrier3A_56 = arith.constant 0 : index
    tpu.barrier barrier_id(%barrier3A_56)
    %mul3A_57 = arith.constant 640 : i32
    %mul3A_58 = arith.muli %arg1, %mul3A_57 : i32
    %mul3A_59 = arith.constant 640 : i32
    %mul3A_60 = arith.muli %arg1, %mul3A_59 : i32
    "tpu.region"() ({
      %run_scoped3A = tpu.sem_alloc : memref<!tpu.dma_semaphore, #tpu.memory_space<semaphore_mem>>
      %dma_start3A = tpu.memref_slice %arg4[%arg0, %mul3A_60] : memref<2x10240xf32, #tpu.memory_space<hbm>> -> memref<1x640xf32, #tpu.memory_space<hbm>>
      %dma_start3A_61 = tpu.memref_squeeze %dma_start3A : memref<1x640xf32, #tpu.memory_space<hbm>> -> memref<640xf32, #tpu.memory_space<hbm>>
      %dma_start3A_62 = tpu.memref_slice %arg7[%mul3A_58] : memref<10240xf32, #tpu.memory_space<vmem_shared>> -> memref<640xf32, #tpu.memory_space<vmem_shared>>
      tpu.enqueue_dma source(%dma_start3A_62 : memref<640xf32, #tpu.memory_space<vmem_shared>>) target(%dma_start3A_61 : memref<640xf32, #tpu.memory_space<hbm>>) target_semaphore(%run_scoped3A : memref<!tpu.dma_semaphore, #tpu.memory_space<semaphore_mem>>)
      %dma_wait3A = tpu.memref_slice %arg4[%arg0, %mul3A_60] : memref<2x10240xf32, #tpu.memory_space<hbm>> -> memref<1x640xf32, #tpu.memory_space<hbm>>
      %dma_wait3A_63 = tpu.memref_squeeze %dma_wait3A : memref<1x640xf32, #tpu.memory_space<hbm>> -> memref<640xf32, #tpu.memory_space<hbm>>
      %dma_wait3A_64 = tpu.memref_slice %arg7[%mul3A_58] : memref<10240xf32, #tpu.memory_space<vmem_shared>> -> memref<640xf32, #tpu.memory_space<vmem_shared>>
      tpu.wait_dma2 semaphore(%run_scoped3A : memref<!tpu.dma_semaphore, #tpu.memory_space<semaphore_mem>>) src(%dma_wait3A_64 : memref<640xf32, #tpu.memory_space<vmem_shared>>) dst(%dma_wait3A_63 : memref<640xf32, #tpu.memory_space<hbm>>)
      tpu.yield
    }) : () -> ()
    return
  }
}

#map = affine_map<(d0, d1) -> (0, 0)>
#map1 = affine_map<(d0, d1) -> (0, 0, 0)>
module attributes {stable_mosaic.version = 14 : i64} {
  func.func @_edge_body(%arg0: i32, %arg1: i32, %arg2: memref<10240x128xf32, #tpu.memory_space<hbm>>, %arg3: memref<2560x128xi32, #tpu.memory_space<hbm>>, %arg4: memref<2560x128xi32, #tpu.memory_space<hbm>>, %arg5: memref<640x128xf32, #tpu.memory_space<hbm>>, %arg6: memref<2x10240x128xf32, #tpu.memory_space<hbm>>, %arg7: memref<40x128xi32, #tpu.memory_space<vmem>>, %arg8: memref<40x128xi32, #tpu.memory_space<vmem>>, %arg9: memref<128x128xf32, #tpu.memory_space<vmem>>, %arg10: memref<128x128xf32, #tpu.memory_space<vmem>>, %arg11: memref<10240x128xf32, #tpu.memory_space<vmem_shared>>, %arg12: memref<!tpu.dma_semaphore, #tpu.memory_space<semaphore_mem>>, %arg13: memref<!tpu.dma_semaphore, #tpu.memory_space<semaphore_mem>>) attributes {dimension_semantics = [#tpu.dimension_semantics<core_parallel>, #tpu.dimension_semantics<subcore_parallel>], iteration_bounds = array<i64: 2, 16>, scalar_prefetch = 0 : i64, scratch_operands = 7 : i64, tpu.core_type = #tpu.core_type<sc_vector_subcore>, window_params = [{transform_indices = #map}, {transform_indices = #map}, {transform_indices = #map}, {transform_indices = #map}, {transform_indices = #map1}]} {
    %eq3A = arith.constant 0 : i32
    %eq3A_0 = arith.cmpi eq, %arg0, %eq3A : i32
    %jit3A = arith.constant 80 : i32
    %jit3A_1 = arith.constant 80 : i32
    %select_n3A = arith.select %eq3A_0, %jit3A, %jit3A_1 : i32
    %eq3A_2 = arith.constant 0 : i32
    %eq3A_3 = arith.cmpi eq, %arg0, %eq3A_2 : i32
    %mul3A = arith.constant 80 : i32
    %mul3A_4 = arith.muli %arg1, %mul3A : i32
    %mul3A_5 = arith.constant 80 : i32
    %mul3A_6 = arith.muli %arg1, %mul3A_5 : i32
    %add3A = arith.constant 1280 : i32
    %add3A_7 = arith.addi %add3A, %mul3A_6 : i32
    %select_n3A_8 = arith.select %eq3A_3, %mul3A_4, %add3A_7 : i32
    %mul3A_9 = arith.constant 640 : i32
    %mul3A_10 = arith.muli %arg1, %mul3A_9 : i32
    "tpu.region"() ({
      %run_scoped3A = tpu.sem_alloc : memref<!tpu.dma_semaphore, #tpu.memory_space<semaphore_mem>>
      %dma_start3A = arith.constant 0 : i32
      %dma_start3A_43 = tpu.memref_slice %arg11[%mul3A_10, %dma_start3A] : memref<10240x128xf32, #tpu.memory_space<vmem_shared>> -> memref<640x128xf32, #tpu.memory_space<vmem_shared>>
      tpu.enqueue_dma source(%arg5 : memref<640x128xf32, #tpu.memory_space<hbm>>) target(%dma_start3A_43 : memref<640x128xf32, #tpu.memory_space<vmem_shared>>) target_semaphore(%run_scoped3A : memref<!tpu.dma_semaphore, #tpu.memory_space<semaphore_mem>>)
      %dma_wait3A = arith.constant 0 : i32
      %dma_wait3A_44 = tpu.memref_slice %arg11[%mul3A_10, %dma_wait3A] : memref<10240x128xf32, #tpu.memory_space<vmem_shared>> -> memref<640x128xf32, #tpu.memory_space<vmem_shared>>
      tpu.wait_dma2 semaphore(%run_scoped3A : memref<!tpu.dma_semaphore, #tpu.memory_space<semaphore_mem>>) src(%arg5 : memref<640x128xf32, #tpu.memory_space<hbm>>) dst(%dma_wait3A_44 : memref<640x128xf32, #tpu.memory_space<vmem_shared>>)
      tpu.yield
    }) : () -> ()
    %barrier3A = arith.constant 0 : index
    tpu.barrier barrier_id(%barrier3A)
    %jit3A_11 = arith.constant 40 : i32
    %div3A = arith.divsi %select_n3A, %jit3A_11 : i32
    %sign3A = arith.constant 0 : i32
    %sign3A_12 = arith.cmpi sgt, %select_n3A, %sign3A : i32
    %sign3A_13 = arith.extui %sign3A_12 : i1 to i32
    %sign3A_14 = arith.constant 0 : i32
    %sign3A_15 = arith.cmpi slt, %select_n3A, %sign3A_14 : i32
    %sign3A_16 = arith.extui %sign3A_15 : i1 to i32
    %sign3A_17 = arith.subi %sign3A_13, %sign3A_16 : i32
    %sign3A_18 = arith.constant 0 : i32
    %sign3A_19 = arith.cmpi sgt, %jit3A_11, %sign3A_18 : i32
    %sign3A_20 = arith.extui %sign3A_19 : i1 to i32
    %sign3A_21 = arith.constant 0 : i32
    %sign3A_22 = arith.cmpi slt, %jit3A_11, %sign3A_21 : i32
    %sign3A_23 = arith.extui %sign3A_22 : i1 to i32
    %sign3A_24 = arith.subi %sign3A_20, %sign3A_23 : i32
    %ne3A = arith.cmpi ne, %sign3A_17, %sign3A_24 : i32
    %rem3A = arith.remsi %select_n3A, %jit3A_11 : i32
    %ne3A_25 = arith.constant 0 : i32
    %ne3A_26 = arith.cmpi ne, %rem3A, %ne3A_25 : i32
    %and3A = arith.andi %ne3A, %ne3A_26 : i1
    %sub3A = arith.constant 1 : i32
    %sub3A_27 = arith.subi %div3A, %sub3A : i32
    %select_n3A_28 = arith.select %and3A, %sub3A_27, %div3A : i32
    %while3A = arith.constant 0 : i32
    %while3A_29 = arith.constant 0 : i32
    %while3A_30 = arith.subi %select_n3A_28, %while3A_29 : i32
    %while3A_31 = arith.addi %while3A_29, %while3A_30 : i32
    %while3A_32 = arith.constant 1 : i32
    %while3A_33 = arith.divsi %while3A_30, %while3A_32 : i32
    %while3A_34 = arith.muli %while3A_33, %while3A_32 : i32
    %while3A_35 = arith.addi %while3A_29, %while3A_34 : i32
    %while3A_36 = arith.constant 1 : i32
    scf.for %while3A_43 = %while3A_29 to %while3A_35 step %while3A_36  : i32 {
      %mul3A_44 = arith.constant 40 : i32
      %mul3A_45 = arith.muli %while3A_43, %mul3A_44 : i32
      %add3A_46 = arith.addi %select_n3A_8, %mul3A_45 : i32
      "tpu.region"() ({
        %run_scoped3A = tpu.sem_alloc : memref<!tpu.dma_semaphore, #tpu.memory_space<semaphore_mem>>
        %dma_start3A_68 = arith.constant 0 : i32
        %dma_start3A_69 = tpu.memref_slice %arg3[%add3A_46, %dma_start3A_68] : memref<2560x128xi32, #tpu.memory_space<hbm>> -> memref<40x128xi32, #tpu.memory_space<hbm>>
        %dma_start3A_70 = arith.constant 0 : i32
        %dma_start3A_71 = tpu.memref_slice %arg3[%add3A_46, %dma_start3A_70] : memref<2560x128xi32, #tpu.memory_space<hbm>> -> memref<40x128xi32, #tpu.memory_space<hbm>>
        tpu.enqueue_dma source(%dma_start3A_71 : memref<40x128xi32, #tpu.memory_space<hbm>>) target(%arg7 : memref<40x128xi32, #tpu.memory_space<vmem>>) target_semaphore(%run_scoped3A : memref<!tpu.dma_semaphore, #tpu.memory_space<semaphore_mem>>)
        %dma_wait3A = arith.constant 0 : i32
        %dma_wait3A_72 = tpu.memref_slice %arg3[%add3A_46, %dma_wait3A] : memref<2560x128xi32, #tpu.memory_space<hbm>> -> memref<40x128xi32, #tpu.memory_space<hbm>>
        %dma_wait3A_73 = arith.constant 0 : i32
        %dma_wait3A_74 = tpu.memref_slice %arg3[%add3A_46, %dma_wait3A_73] : memref<2560x128xi32, #tpu.memory_space<hbm>> -> memref<40x128xi32, #tpu.memory_space<hbm>>
        tpu.wait_dma2 semaphore(%run_scoped3A : memref<!tpu.dma_semaphore, #tpu.memory_space<semaphore_mem>>) src(%dma_wait3A_74 : memref<40x128xi32, #tpu.memory_space<hbm>>) dst(%arg7 : memref<40x128xi32, #tpu.memory_space<vmem>>)
        tpu.yield
      }) : () -> ()
      %mul3A_47 = arith.constant 40 : i32
      %mul3A_48 = arith.muli %while3A_43, %mul3A_47 : i32
      %add3A_49 = arith.addi %select_n3A_8, %mul3A_48 : i32
      "tpu.region"() ({
        %run_scoped3A = tpu.sem_alloc : memref<!tpu.dma_semaphore, #tpu.memory_space<semaphore_mem>>
        %dma_start3A_68 = arith.constant 0 : i32
        %dma_start3A_69 = tpu.memref_slice %arg4[%add3A_49, %dma_start3A_68] : memref<2560x128xi32, #tpu.memory_space<hbm>> -> memref<40x128xi32, #tpu.memory_space<hbm>>
        %dma_start3A_70 = arith.constant 0 : i32
        %dma_start3A_71 = tpu.memref_slice %arg4[%add3A_49, %dma_start3A_70] : memref<2560x128xi32, #tpu.memory_space<hbm>> -> memref<40x128xi32, #tpu.memory_space<hbm>>
        tpu.enqueue_dma source(%dma_start3A_71 : memref<40x128xi32, #tpu.memory_space<hbm>>) target(%arg8 : memref<40x128xi32, #tpu.memory_space<vmem>>) target_semaphore(%run_scoped3A : memref<!tpu.dma_semaphore, #tpu.memory_space<semaphore_mem>>)
        %dma_wait3A = arith.constant 0 : i32
        %dma_wait3A_72 = tpu.memref_slice %arg4[%add3A_49, %dma_wait3A] : memref<2560x128xi32, #tpu.memory_space<hbm>> -> memref<40x128xi32, #tpu.memory_space<hbm>>
        %dma_wait3A_73 = arith.constant 0 : i32
        %dma_wait3A_74 = tpu.memref_slice %arg4[%add3A_49, %dma_wait3A_73] : memref<2560x128xi32, #tpu.memory_space<hbm>> -> memref<40x128xi32, #tpu.memory_space<hbm>>
        tpu.wait_dma2 semaphore(%run_scoped3A : memref<!tpu.dma_semaphore, #tpu.memory_space<semaphore_mem>>) src(%dma_wait3A_74 : memref<40x128xi32, #tpu.memory_space<hbm>>) dst(%arg8 : memref<40x128xi32, #tpu.memory_space<vmem>>)
        tpu.yield
      }) : () -> ()
      %dma_start3A = arith.constant 0 : i32
      %dma_start3A_50 = arith.constant 0 : i32
      %dma_start3A_51 = tpu.memref_slice %arg7[%dma_start3A, %dma_start3A_50] : memref<40x128xi32, #tpu.memory_space<vmem>> -> memref<1x128xi32, #tpu.memory_space<vmem>>
      %dma_start3A_52 = tpu.memref_squeeze %dma_start3A_51 : memref<1x128xi32, #tpu.memory_space<vmem>> -> memref<128xi32, #tpu.memory_space<vmem>>
      %dma_start3A_53 = arith.constant 0 : i32
      %dma_start3A_54 = arith.constant 0 : i32
      %dma_start3A_55 = tpu.memref_slice %arg2[%dma_start3A_53, %dma_start3A_54] : memref<10240x128xf32, #tpu.memory_space<hbm>> -> memref<10240x128xf32, #tpu.memory_space<hbm>>
      tpu.enqueue_indirect_dma source(%dma_start3A_55 : memref<10240x128xf32, #tpu.memory_space<hbm>>) target(%arg9 : memref<128x128xf32, #tpu.memory_space<vmem>>) offsets(%dma_start3A_52 : memref<128xi32, #tpu.memory_space<vmem>>) semaphore(%arg12 : memref<!tpu.dma_semaphore, #tpu.memory_space<semaphore_mem>>)
      %dma_start3A_56 = arith.constant 1 : i32
      %dma_start3A_57 = arith.constant 0 : i32
      %dma_start3A_58 = tpu.memref_slice %arg7[%dma_start3A_56, %dma_start3A_57] : memref<40x128xi32, #tpu.memory_space<vmem>> -> memref<1x128xi32, #tpu.memory_space<vmem>>
      %dma_start3A_59 = tpu.memref_squeeze %dma_start3A_58 : memref<1x128xi32, #tpu.memory_space<vmem>> -> memref<128xi32, #tpu.memory_space<vmem>>
      %dma_start3A_60 = arith.constant 0 : i32
      %dma_start3A_61 = arith.constant 0 : i32
      %dma_start3A_62 = tpu.memref_slice %arg2[%dma_start3A_60, %dma_start3A_61] : memref<10240x128xf32, #tpu.memory_space<hbm>> -> memref<10240x128xf32, #tpu.memory_space<hbm>>
      tpu.enqueue_indirect_dma source(%dma_start3A_62 : memref<10240x128xf32, #tpu.memory_space<hbm>>) target(%arg10 : memref<128x128xf32, #tpu.memory_space<vmem>>) offsets(%dma_start3A_59 : memref<128xi32, #tpu.memory_space<vmem>>) semaphore(%arg13 : memref<!tpu.dma_semaphore, #tpu.memory_space<semaphore_mem>>)
      %scan3A = arith.constant 0 : i32
      %scan3A_63 = arith.constant 0 : i32
      %scan3A_64 = arith.constant 20 : i32
      %scan3A_65 = arith.addi %scan3A_63, %scan3A_64 : i32
      %scan3A_66 = arith.constant 1 : i32
      scf.for %scan3A_68 = %scan3A_63 to %scan3A_65 step %scan3A_66  : i32 {
        %mul3A_69 = arith.constant 2 : i32
        %mul3A_70 = arith.muli %scan3A_68, %mul3A_69 : i32
        %add3A_71 = arith.constant 0 : i32
        %add3A_72 = arith.addi %mul3A_70, %add3A_71 : i32
        %dma_wait3A = arith.constant 0 : i32
        %dma_wait3A_73 = arith.constant 0 : i32
        %dma_wait3A_74 = tpu.memref_slice %arg7[%dma_wait3A, %dma_wait3A_73] : memref<40x128xi32, #tpu.memory_space<vmem>> -> memref<1x128xi32, #tpu.memory_space<vmem>>
        %dma_wait3A_75 = tpu.memref_squeeze %dma_wait3A_74 : memref<1x128xi32, #tpu.memory_space<vmem>> -> memref<128xi32, #tpu.memory_space<vmem>>
        %dma_wait3A_76 = arith.constant 0 : i32
        %dma_wait3A_77 = arith.constant 0 : i32
        %dma_wait3A_78 = tpu.memref_slice %arg2[%dma_wait3A_76, %dma_wait3A_77] : memref<10240x128xf32, #tpu.memory_space<hbm>> -> memref<10240x128xf32, #tpu.memory_space<hbm>>
        tpu.wait_indirect_dma semaphore(%arg12 : memref<!tpu.dma_semaphore, #tpu.memory_space<semaphore_mem>>) src(%dma_wait3A_78 : memref<10240x128xf32, #tpu.memory_space<hbm>>) dst(%arg9 : memref<128x128xf32, #tpu.memory_space<vmem>>)
        "tpu.region"() ({
          %run_scoped3A = tpu.sem_alloc : memref<!tpu.dma_semaphore, #tpu.memory_space<semaphore_mem>>
          %dma_start3A_101 = arith.constant 0 : i32
          %dma_start3A_102 = tpu.memref_slice %arg8[%add3A_72, %dma_start3A_101] : memref<40x128xi32, #tpu.memory_space<vmem>> -> memref<1x128xi32, #tpu.memory_space<vmem>>
          %dma_start3A_103 = tpu.memref_squeeze %dma_start3A_102 : memref<1x128xi32, #tpu.memory_space<vmem>> -> memref<128xi32, #tpu.memory_space<vmem>>
          %dma_start3A_104 = arith.constant 0 : i32
          %dma_start3A_105 = arith.constant 0 : i32
          %dma_start3A_106 = tpu.memref_slice %arg11[%dma_start3A_104, %dma_start3A_105] : memref<10240x128xf32, #tpu.memory_space<vmem_shared>> -> memref<10240x128xf32, #tpu.memory_space<vmem_shared>>
          tpu.enqueue_indirect_dma source(%arg9 : memref<128x128xf32, #tpu.memory_space<vmem>>) target(%dma_start3A_106 : memref<10240x128xf32, #tpu.memory_space<vmem_shared>>) offsets(%dma_start3A_103 : memref<128xi32, #tpu.memory_space<vmem>>) semaphore(%run_scoped3A : memref<!tpu.dma_semaphore, #tpu.memory_space<semaphore_mem>>) {add = true}
          %dma_wait3A_107 = arith.constant 0 : i32
          %dma_wait3A_108 = tpu.memref_slice %arg8[%add3A_72, %dma_wait3A_107] : memref<40x128xi32, #tpu.memory_space<vmem>> -> memref<1x128xi32, #tpu.memory_space<vmem>>
          %dma_wait3A_109 = tpu.memref_squeeze %dma_wait3A_108 : memref<1x128xi32, #tpu.memory_space<vmem>> -> memref<128xi32, #tpu.memory_space<vmem>>
          %dma_wait3A_110 = arith.constant 0 : i32
          %dma_wait3A_111 = arith.constant 0 : i32
          %dma_wait3A_112 = tpu.memref_slice %arg11[%dma_wait3A_110, %dma_wait3A_111] : memref<10240x128xf32, #tpu.memory_space<vmem_shared>> -> memref<10240x128xf32, #tpu.memory_space<vmem_shared>>
          tpu.wait_indirect_dma semaphore(%run_scoped3A : memref<!tpu.dma_semaphore, #tpu.memory_space<semaphore_mem>>) src(%arg9 : memref<128x128xf32, #tpu.memory_space<vmem>>) dst(%dma_wait3A_112 : memref<10240x128xf32, #tpu.memory_space<vmem_shared>>)
          tpu.yield
        }) : () -> ()
        %add3A_79 = arith.constant 2 : i32
        %add3A_80 = arith.addi %add3A_72, %add3A_79 : i32
        %lt3A = arith.constant 40 : i32
        %lt3A_81 = arith.cmpi slt, %add3A_80, %lt3A : i32
        %convert_element_type3A = arith.extui %lt3A_81 : i1 to i32
        %cond3A = arith.constant 0 : i32
        %cond3A_82 = arith.cmpi ne, %convert_element_type3A, %cond3A : i32
        scf.if %cond3A_82 {
          %dma_start3A_101 = arith.constant 0 : i32
          %dma_start3A_102 = tpu.memref_slice %arg7[%add3A_80, %dma_start3A_101] : memref<40x128xi32, #tpu.memory_space<vmem>> -> memref<1x128xi32, #tpu.memory_space<vmem>>
          %dma_start3A_103 = tpu.memref_squeeze %dma_start3A_102 : memref<1x128xi32, #tpu.memory_space<vmem>> -> memref<128xi32, #tpu.memory_space<vmem>>
          %dma_start3A_104 = arith.constant 0 : i32
          %dma_start3A_105 = arith.constant 0 : i32
          %dma_start3A_106 = tpu.memref_slice %arg2[%dma_start3A_104, %dma_start3A_105] : memref<10240x128xf32, #tpu.memory_space<hbm>> -> memref<10240x128xf32, #tpu.memory_space<hbm>>
          tpu.enqueue_indirect_dma source(%dma_start3A_106 : memref<10240x128xf32, #tpu.memory_space<hbm>>) target(%arg9 : memref<128x128xf32, #tpu.memory_space<vmem>>) offsets(%dma_start3A_103 : memref<128xi32, #tpu.memory_space<vmem>>) semaphore(%arg12 : memref<!tpu.dma_semaphore, #tpu.memory_space<semaphore_mem>>)
        } else {
        }
        %mul3A_83 = arith.constant 2 : i32
        %mul3A_84 = arith.muli %scan3A_68, %mul3A_83 : i32
        %add3A_85 = arith.constant 1 : i32
        %add3A_86 = arith.addi %mul3A_84, %add3A_85 : i32
        %dma_wait3A_87 = arith.constant 0 : i32
        %dma_wait3A_88 = arith.constant 0 : i32
        %dma_wait3A_89 = tpu.memref_slice %arg7[%dma_wait3A_87, %dma_wait3A_88] : memref<40x128xi32, #tpu.memory_space<vmem>> -> memref<1x128xi32, #tpu.memory_space<vmem>>
        %dma_wait3A_90 = tpu.memref_squeeze %dma_wait3A_89 : memref<1x128xi32, #tpu.memory_space<vmem>> -> memref<128xi32, #tpu.memory_space<vmem>>
        %dma_wait3A_91 = arith.constant 0 : i32
        %dma_wait3A_92 = arith.constant 0 : i32
        %dma_wait3A_93 = tpu.memref_slice %arg2[%dma_wait3A_91, %dma_wait3A_92] : memref<10240x128xf32, #tpu.memory_space<hbm>> -> memref<10240x128xf32, #tpu.memory_space<hbm>>
        tpu.wait_indirect_dma semaphore(%arg13 : memref<!tpu.dma_semaphore, #tpu.memory_space<semaphore_mem>>) src(%dma_wait3A_93 : memref<10240x128xf32, #tpu.memory_space<hbm>>) dst(%arg10 : memref<128x128xf32, #tpu.memory_space<vmem>>)
        "tpu.region"() ({
          %run_scoped3A = tpu.sem_alloc : memref<!tpu.dma_semaphore, #tpu.memory_space<semaphore_mem>>
          %dma_start3A_101 = arith.constant 0 : i32
          %dma_start3A_102 = tpu.memref_slice %arg8[%add3A_86, %dma_start3A_101] : memref<40x128xi32, #tpu.memory_space<vmem>> -> memref<1x128xi32, #tpu.memory_space<vmem>>
          %dma_start3A_103 = tpu.memref_squeeze %dma_start3A_102 : memref<1x128xi32, #tpu.memory_space<vmem>> -> memref<128xi32, #tpu.memory_space<vmem>>
          %dma_start3A_104 = arith.constant 0 : i32
          %dma_start3A_105 = arith.constant 0 : i32
          %dma_start3A_106 = tpu.memref_slice %arg11[%dma_start3A_104, %dma_start3A_105] : memref<10240x128xf32, #tpu.memory_space<vmem_shared>> -> memref<10240x128xf32, #tpu.memory_space<vmem_shared>>
          tpu.enqueue_indirect_dma source(%arg10 : memref<128x128xf32, #tpu.memory_space<vmem>>) target(%dma_start3A_106 : memref<10240x128xf32, #tpu.memory_space<vmem_shared>>) offsets(%dma_start3A_103 : memref<128xi32, #tpu.memory_space<vmem>>) semaphore(%run_scoped3A : memref<!tpu.dma_semaphore, #tpu.memory_space<semaphore_mem>>) {add = true}
          %dma_wait3A_107 = arith.constant 0 : i32
          %dma_wait3A_108 = tpu.memref_slice %arg8[%add3A_86, %dma_wait3A_107] : memref<40x128xi32, #tpu.memory_space<vmem>> -> memref<1x128xi32, #tpu.memory_space<vmem>>
          %dma_wait3A_109 = tpu.memref_squeeze %dma_wait3A_108 : memref<1x128xi32, #tpu.memory_space<vmem>> -> memref<128xi32, #tpu.memory_space<vmem>>
          %dma_wait3A_110 = arith.constant 0 : i32
          %dma_wait3A_111 = arith.constant 0 : i32
          %dma_wait3A_112 = tpu.memref_slice %arg11[%dma_wait3A_110, %dma_wait3A_111] : memref<10240x128xf32, #tpu.memory_space<vmem_shared>> -> memref<10240x128xf32, #tpu.memory_space<vmem_shared>>
          tpu.wait_indirect_dma semaphore(%run_scoped3A : memref<!tpu.dma_semaphore, #tpu.memory_space<semaphore_mem>>) src(%arg10 : memref<128x128xf32, #tpu.memory_space<vmem>>) dst(%dma_wait3A_112 : memref<10240x128xf32, #tpu.memory_space<vmem_shared>>)
          tpu.yield
        }) : () -> ()
        %add3A_94 = arith.constant 2 : i32
        %add3A_95 = arith.addi %add3A_86, %add3A_94 : i32
        %lt3A_96 = arith.constant 40 : i32
        %lt3A_97 = arith.cmpi slt, %add3A_95, %lt3A_96 : i32
        %convert_element_type3A_98 = arith.extui %lt3A_97 : i1 to i32
        %cond3A_99 = arith.constant 0 : i32
        %cond3A_100 = arith.cmpi ne, %convert_element_type3A_98, %cond3A_99 : i32
        scf.if %cond3A_100 {
          %dma_start3A_101 = arith.constant 0 : i32
          %dma_start3A_102 = tpu.memref_slice %arg7[%add3A_95, %dma_start3A_101] : memref<40x128xi32, #tpu.memory_space<vmem>> -> memref<1x128xi32, #tpu.memory_space<vmem>>
          %dma_start3A_103 = tpu.memref_squeeze %dma_start3A_102 : memref<1x128xi32, #tpu.memory_space<vmem>> -> memref<128xi32, #tpu.memory_space<vmem>>
          %dma_start3A_104 = arith.constant 0 : i32
          %dma_start3A_105 = arith.constant 0 : i32
          %dma_start3A_106 = tpu.memref_slice %arg2[%dma_start3A_104, %dma_start3A_105] : memref<10240x128xf32, #tpu.memory_space<hbm>> -> memref<10240x128xf32, #tpu.memory_space<hbm>>
          tpu.enqueue_indirect_dma source(%dma_start3A_106 : memref<10240x128xf32, #tpu.memory_space<hbm>>) target(%arg10 : memref<128x128xf32, #tpu.memory_space<vmem>>) offsets(%dma_start3A_103 : memref<128xi32, #tpu.memory_space<vmem>>) semaphore(%arg13 : memref<!tpu.dma_semaphore, #tpu.memory_space<semaphore_mem>>)
        } else {
        }
      }
      %scan3A_67 = arith.constant 20 : i32
    }
    %while3A_37 = arith.constant 1 : i32
    scf.for %while3A_43 = %while3A_35 to %while3A_31 step %while3A_37  : i32 {
      %mul3A_44 = arith.constant 40 : i32
      %mul3A_45 = arith.muli %while3A_43, %mul3A_44 : i32
      %add3A_46 = arith.addi %select_n3A_8, %mul3A_45 : i32
      "tpu.region"() ({
        %run_scoped3A = tpu.sem_alloc : memref<!tpu.dma_semaphore, #tpu.memory_space<semaphore_mem>>
        %dma_start3A_68 = arith.constant 0 : i32
        %dma_start3A_69 = tpu.memref_slice %arg3[%add3A_46, %dma_start3A_68] : memref<2560x128xi32, #tpu.memory_space<hbm>> -> memref<40x128xi32, #tpu.memory_space<hbm>>
        %dma_start3A_70 = arith.constant 0 : i32
        %dma_start3A_71 = tpu.memref_slice %arg3[%add3A_46, %dma_start3A_70] : memref<2560x128xi32, #tpu.memory_space<hbm>> -> memref<40x128xi32, #tpu.memory_space<hbm>>
        tpu.enqueue_dma source(%dma_start3A_71 : memref<40x128xi32, #tpu.memory_space<hbm>>) target(%arg7 : memref<40x128xi32, #tpu.memory_space<vmem>>) target_semaphore(%run_scoped3A : memref<!tpu.dma_semaphore, #tpu.memory_space<semaphore_mem>>)
        %dma_wait3A = arith.constant 0 : i32
        %dma_wait3A_72 = tpu.memref_slice %arg3[%add3A_46, %dma_wait3A] : memref<2560x128xi32, #tpu.memory_space<hbm>> -> memref<40x128xi32, #tpu.memory_space<hbm>>
        %dma_wait3A_73 = arith.constant 0 : i32
        %dma_wait3A_74 = tpu.memref_slice %arg3[%add3A_46, %dma_wait3A_73] : memref<2560x128xi32, #tpu.memory_space<hbm>> -> memref<40x128xi32, #tpu.memory_space<hbm>>
        tpu.wait_dma2 semaphore(%run_scoped3A : memref<!tpu.dma_semaphore, #tpu.memory_space<semaphore_mem>>) src(%dma_wait3A_74 : memref<40x128xi32, #tpu.memory_space<hbm>>) dst(%arg7 : memref<40x128xi32, #tpu.memory_space<vmem>>)
        tpu.yield
      }) : () -> ()
      %mul3A_47 = arith.constant 40 : i32
      %mul3A_48 = arith.muli %while3A_43, %mul3A_47 : i32
      %add3A_49 = arith.addi %select_n3A_8, %mul3A_48 : i32
      "tpu.region"() ({
        %run_scoped3A = tpu.sem_alloc : memref<!tpu.dma_semaphore, #tpu.memory_space<semaphore_mem>>
        %dma_start3A_68 = arith.constant 0 : i32
        %dma_start3A_69 = tpu.memref_slice %arg4[%add3A_49, %dma_start3A_68] : memref<2560x128xi32, #tpu.memory_space<hbm>> -> memref<40x128xi32, #tpu.memory_space<hbm>>
        %dma_start3A_70 = arith.constant 0 : i32
        %dma_start3A_71 = tpu.memref_slice %arg4[%add3A_49, %dma_start3A_70] : memref<2560x128xi32, #tpu.memory_space<hbm>> -> memref<40x128xi32, #tpu.memory_space<hbm>>
        tpu.enqueue_dma source(%dma_start3A_71 : memref<40x128xi32, #tpu.memory_space<hbm>>) target(%arg8 : memref<40x128xi32, #tpu.memory_space<vmem>>) target_semaphore(%run_scoped3A : memref<!tpu.dma_semaphore, #tpu.memory_space<semaphore_mem>>)
        %dma_wait3A = arith.constant 0 : i32
        %dma_wait3A_72 = tpu.memref_slice %arg4[%add3A_49, %dma_wait3A] : memref<2560x128xi32, #tpu.memory_space<hbm>> -> memref<40x128xi32, #tpu.memory_space<hbm>>
        %dma_wait3A_73 = arith.constant 0 : i32
        %dma_wait3A_74 = tpu.memref_slice %arg4[%add3A_49, %dma_wait3A_73] : memref<2560x128xi32, #tpu.memory_space<hbm>> -> memref<40x128xi32, #tpu.memory_space<hbm>>
        tpu.wait_dma2 semaphore(%run_scoped3A : memref<!tpu.dma_semaphore, #tpu.memory_space<semaphore_mem>>) src(%dma_wait3A_74 : memref<40x128xi32, #tpu.memory_space<hbm>>) dst(%arg8 : memref<40x128xi32, #tpu.memory_space<vmem>>)
        tpu.yield
      }) : () -> ()
      %dma_start3A = arith.constant 0 : i32
      %dma_start3A_50 = arith.constant 0 : i32
      %dma_start3A_51 = tpu.memref_slice %arg7[%dma_start3A, %dma_start3A_50] : memref<40x128xi32, #tpu.memory_space<vmem>> -> memref<1x128xi32, #tpu.memory_space<vmem>>
      %dma_start3A_52 = tpu.memref_squeeze %dma_start3A_51 : memref<1x128xi32, #tpu.memory_space<vmem>> -> memref<128xi32, #tpu.memory_space<vmem>>
      %dma_start3A_53 = arith.constant 0 : i32
      %dma_start3A_54 = arith.constant 0 : i32
      %dma_start3A_55 = tpu.memref_slice %arg2[%dma_start3A_53, %dma_start3A_54] : memref<10240x128xf32, #tpu.memory_space<hbm>> -> memref<10240x128xf32, #tpu.memory_space<hbm>>
      tpu.enqueue_indirect_dma source(%dma_start3A_55 : memref<10240x128xf32, #tpu.memory_space<hbm>>) target(%arg9 : memref<128x128xf32, #tpu.memory_space<vmem>>) offsets(%dma_start3A_52 : memref<128xi32, #tpu.memory_space<vmem>>) semaphore(%arg12 : memref<!tpu.dma_semaphore, #tpu.memory_space<semaphore_mem>>)
      %dma_start3A_56 = arith.constant 1 : i32
      %dma_start3A_57 = arith.constant 0 : i32
      %dma_start3A_58 = tpu.memref_slice %arg7[%dma_start3A_56, %dma_start3A_57] : memref<40x128xi32, #tpu.memory_space<vmem>> -> memref<1x128xi32, #tpu.memory_space<vmem>>
      %dma_start3A_59 = tpu.memref_squeeze %dma_start3A_58 : memref<1x128xi32, #tpu.memory_space<vmem>> -> memref<128xi32, #tpu.memory_space<vmem>>
      %dma_start3A_60 = arith.constant 0 : i32
      %dma_start3A_61 = arith.constant 0 : i32
      %dma_start3A_62 = tpu.memref_slice %arg2[%dma_start3A_60, %dma_start3A_61] : memref<10240x128xf32, #tpu.memory_space<hbm>> -> memref<10240x128xf32, #tpu.memory_space<hbm>>
      tpu.enqueue_indirect_dma source(%dma_start3A_62 : memref<10240x128xf32, #tpu.memory_space<hbm>>) target(%arg10 : memref<128x128xf32, #tpu.memory_space<vmem>>) offsets(%dma_start3A_59 : memref<128xi32, #tpu.memory_space<vmem>>) semaphore(%arg13 : memref<!tpu.dma_semaphore, #tpu.memory_space<semaphore_mem>>)
      %scan3A = arith.constant 0 : i32
      %scan3A_63 = arith.constant 0 : i32
      %scan3A_64 = arith.constant 20 : i32
      %scan3A_65 = arith.addi %scan3A_63, %scan3A_64 : i32
      %scan3A_66 = arith.constant 1 : i32
      scf.for %scan3A_68 = %scan3A_63 to %scan3A_65 step %scan3A_66  : i32 {
        %mul3A_69 = arith.constant 2 : i32
        %mul3A_70 = arith.muli %scan3A_68, %mul3A_69 : i32
        %add3A_71 = arith.constant 0 : i32
        %add3A_72 = arith.addi %mul3A_70, %add3A_71 : i32
        %dma_wait3A = arith.constant 0 : i32
        %dma_wait3A_73 = arith.constant 0 : i32
        %dma_wait3A_74 = tpu.memref_slice %arg7[%dma_wait3A, %dma_wait3A_73] : memref<40x128xi32, #tpu.memory_space<vmem>> -> memref<1x128xi32, #tpu.memory_space<vmem>>
        %dma_wait3A_75 = tpu.memref_squeeze %dma_wait3A_74 : memref<1x128xi32, #tpu.memory_space<vmem>> -> memref<128xi32, #tpu.memory_space<vmem>>
        %dma_wait3A_76 = arith.constant 0 : i32
        %dma_wait3A_77 = arith.constant 0 : i32
        %dma_wait3A_78 = tpu.memref_slice %arg2[%dma_wait3A_76, %dma_wait3A_77] : memref<10240x128xf32, #tpu.memory_space<hbm>> -> memref<10240x128xf32, #tpu.memory_space<hbm>>
        tpu.wait_indirect_dma semaphore(%arg12 : memref<!tpu.dma_semaphore, #tpu.memory_space<semaphore_mem>>) src(%dma_wait3A_78 : memref<10240x128xf32, #tpu.memory_space<hbm>>) dst(%arg9 : memref<128x128xf32, #tpu.memory_space<vmem>>)
        "tpu.region"() ({
          %run_scoped3A = tpu.sem_alloc : memref<!tpu.dma_semaphore, #tpu.memory_space<semaphore_mem>>
          %dma_start3A_101 = arith.constant 0 : i32
          %dma_start3A_102 = tpu.memref_slice %arg8[%add3A_72, %dma_start3A_101] : memref<40x128xi32, #tpu.memory_space<vmem>> -> memref<1x128xi32, #tpu.memory_space<vmem>>
          %dma_start3A_103 = tpu.memref_squeeze %dma_start3A_102 : memref<1x128xi32, #tpu.memory_space<vmem>> -> memref<128xi32, #tpu.memory_space<vmem>>
          %dma_start3A_104 = arith.constant 0 : i32
          %dma_start3A_105 = arith.constant 0 : i32
          %dma_start3A_106 = tpu.memref_slice %arg11[%dma_start3A_104, %dma_start3A_105] : memref<10240x128xf32, #tpu.memory_space<vmem_shared>> -> memref<10240x128xf32, #tpu.memory_space<vmem_shared>>
          tpu.enqueue_indirect_dma source(%arg9 : memref<128x128xf32, #tpu.memory_space<vmem>>) target(%dma_start3A_106 : memref<10240x128xf32, #tpu.memory_space<vmem_shared>>) offsets(%dma_start3A_103 : memref<128xi32, #tpu.memory_space<vmem>>) semaphore(%run_scoped3A : memref<!tpu.dma_semaphore, #tpu.memory_space<semaphore_mem>>) {add = true}
          %dma_wait3A_107 = arith.constant 0 : i32
          %dma_wait3A_108 = tpu.memref_slice %arg8[%add3A_72, %dma_wait3A_107] : memref<40x128xi32, #tpu.memory_space<vmem>> -> memref<1x128xi32, #tpu.memory_space<vmem>>
          %dma_wait3A_109 = tpu.memref_squeeze %dma_wait3A_108 : memref<1x128xi32, #tpu.memory_space<vmem>> -> memref<128xi32, #tpu.memory_space<vmem>>
          %dma_wait3A_110 = arith.constant 0 : i32
          %dma_wait3A_111 = arith.constant 0 : i32
          %dma_wait3A_112 = tpu.memref_slice %arg11[%dma_wait3A_110, %dma_wait3A_111] : memref<10240x128xf32, #tpu.memory_space<vmem_shared>> -> memref<10240x128xf32, #tpu.memory_space<vmem_shared>>
          tpu.wait_indirect_dma semaphore(%run_scoped3A : memref<!tpu.dma_semaphore, #tpu.memory_space<semaphore_mem>>) src(%arg9 : memref<128x128xf32, #tpu.memory_space<vmem>>) dst(%dma_wait3A_112 : memref<10240x128xf32, #tpu.memory_space<vmem_shared>>)
          tpu.yield
        }) : () -> ()
        %add3A_79 = arith.constant 2 : i32
        %add3A_80 = arith.addi %add3A_72, %add3A_79 : i32
        %lt3A = arith.constant 40 : i32
        %lt3A_81 = arith.cmpi slt, %add3A_80, %lt3A : i32
        %convert_element_type3A = arith.extui %lt3A_81 : i1 to i32
        %cond3A = arith.constant 0 : i32
        %cond3A_82 = arith.cmpi ne, %convert_element_type3A, %cond3A : i32
        scf.if %cond3A_82 {
          %dma_start3A_101 = arith.constant 0 : i32
          %dma_start3A_102 = tpu.memref_slice %arg7[%add3A_80, %dma_start3A_101] : memref<40x128xi32, #tpu.memory_space<vmem>> -> memref<1x128xi32, #tpu.memory_space<vmem>>
          %dma_start3A_103 = tpu.memref_squeeze %dma_start3A_102 : memref<1x128xi32, #tpu.memory_space<vmem>> -> memref<128xi32, #tpu.memory_space<vmem>>
          %dma_start3A_104 = arith.constant 0 : i32
          %dma_start3A_105 = arith.constant 0 : i32
          %dma_start3A_106 = tpu.memref_slice %arg2[%dma_start3A_104, %dma_start3A_105] : memref<10240x128xf32, #tpu.memory_space<hbm>> -> memref<10240x128xf32, #tpu.memory_space<hbm>>
          tpu.enqueue_indirect_dma source(%dma_start3A_106 : memref<10240x128xf32, #tpu.memory_space<hbm>>) target(%arg9 : memref<128x128xf32, #tpu.memory_space<vmem>>) offsets(%dma_start3A_103 : memref<128xi32, #tpu.memory_space<vmem>>) semaphore(%arg12 : memref<!tpu.dma_semaphore, #tpu.memory_space<semaphore_mem>>)
        } else {
        }
        %mul3A_83 = arith.constant 2 : i32
        %mul3A_84 = arith.muli %scan3A_68, %mul3A_83 : i32
        %add3A_85 = arith.constant 1 : i32
        %add3A_86 = arith.addi %mul3A_84, %add3A_85 : i32
        %dma_wait3A_87 = arith.constant 0 : i32
        %dma_wait3A_88 = arith.constant 0 : i32
        %dma_wait3A_89 = tpu.memref_slice %arg7[%dma_wait3A_87, %dma_wait3A_88] : memref<40x128xi32, #tpu.memory_space<vmem>> -> memref<1x128xi32, #tpu.memory_space<vmem>>
        %dma_wait3A_90 = tpu.memref_squeeze %dma_wait3A_89 : memref<1x128xi32, #tpu.memory_space<vmem>> -> memref<128xi32, #tpu.memory_space<vmem>>
        %dma_wait3A_91 = arith.constant 0 : i32
        %dma_wait3A_92 = arith.constant 0 : i32
        %dma_wait3A_93 = tpu.memref_slice %arg2[%dma_wait3A_91, %dma_wait3A_92] : memref<10240x128xf32, #tpu.memory_space<hbm>> -> memref<10240x128xf32, #tpu.memory_space<hbm>>
        tpu.wait_indirect_dma semaphore(%arg13 : memref<!tpu.dma_semaphore, #tpu.memory_space<semaphore_mem>>) src(%dma_wait3A_93 : memref<10240x128xf32, #tpu.memory_space<hbm>>) dst(%arg10 : memref<128x128xf32, #tpu.memory_space<vmem>>)
        "tpu.region"() ({
          %run_scoped3A = tpu.sem_alloc : memref<!tpu.dma_semaphore, #tpu.memory_space<semaphore_mem>>
          %dma_start3A_101 = arith.constant 0 : i32
          %dma_start3A_102 = tpu.memref_slice %arg8[%add3A_86, %dma_start3A_101] : memref<40x128xi32, #tpu.memory_space<vmem>> -> memref<1x128xi32, #tpu.memory_space<vmem>>
          %dma_start3A_103 = tpu.memref_squeeze %dma_start3A_102 : memref<1x128xi32, #tpu.memory_space<vmem>> -> memref<128xi32, #tpu.memory_space<vmem>>
          %dma_start3A_104 = arith.constant 0 : i32
          %dma_start3A_105 = arith.constant 0 : i32
          %dma_start3A_106 = tpu.memref_slice %arg11[%dma_start3A_104, %dma_start3A_105] : memref<10240x128xf32, #tpu.memory_space<vmem_shared>> -> memref<10240x128xf32, #tpu.memory_space<vmem_shared>>
          tpu.enqueue_indirect_dma source(%arg10 : memref<128x128xf32, #tpu.memory_space<vmem>>) target(%dma_start3A_106 : memref<10240x128xf32, #tpu.memory_space<vmem_shared>>) offsets(%dma_start3A_103 : memref<128xi32, #tpu.memory_space<vmem>>) semaphore(%run_scoped3A : memref<!tpu.dma_semaphore, #tpu.memory_space<semaphore_mem>>) {add = true}
          %dma_wait3A_107 = arith.constant 0 : i32
          %dma_wait3A_108 = tpu.memref_slice %arg8[%add3A_86, %dma_wait3A_107] : memref<40x128xi32, #tpu.memory_space<vmem>> -> memref<1x128xi32, #tpu.memory_space<vmem>>
          %dma_wait3A_109 = tpu.memref_squeeze %dma_wait3A_108 : memref<1x128xi32, #tpu.memory_space<vmem>> -> memref<128xi32, #tpu.memory_space<vmem>>
          %dma_wait3A_110 = arith.constant 0 : i32
          %dma_wait3A_111 = arith.constant 0 : i32
          %dma_wait3A_112 = tpu.memref_slice %arg11[%dma_wait3A_110, %dma_wait3A_111] : memref<10240x128xf32, #tpu.memory_space<vmem_shared>> -> memref<10240x128xf32, #tpu.memory_space<vmem_shared>>
          tpu.wait_indirect_dma semaphore(%run_scoped3A : memref<!tpu.dma_semaphore, #tpu.memory_space<semaphore_mem>>) src(%arg10 : memref<128x128xf32, #tpu.memory_space<vmem>>) dst(%dma_wait3A_112 : memref<10240x128xf32, #tpu.memory_space<vmem_shared>>)
          tpu.yield
        }) : () -> ()
        %add3A_94 = arith.constant 2 : i32
        %add3A_95 = arith.addi %add3A_86, %add3A_94 : i32
        %lt3A_96 = arith.constant 40 : i32
        %lt3A_97 = arith.cmpi slt, %add3A_95, %lt3A_96 : i32
        %convert_element_type3A_98 = arith.extui %lt3A_97 : i1 to i32
        %cond3A_99 = arith.constant 0 : i32
        %cond3A_100 = arith.cmpi ne, %convert_element_type3A_98, %cond3A_99 : i32
        scf.if %cond3A_100 {
          %dma_start3A_101 = arith.constant 0 : i32
          %dma_start3A_102 = tpu.memref_slice %arg7[%add3A_95, %dma_start3A_101] : memref<40x128xi32, #tpu.memory_space<vmem>> -> memref<1x128xi32, #tpu.memory_space<vmem>>
          %dma_start3A_103 = tpu.memref_squeeze %dma_start3A_102 : memref<1x128xi32, #tpu.memory_space<vmem>> -> memref<128xi32, #tpu.memory_space<vmem>>
          %dma_start3A_104 = arith.constant 0 : i32
          %dma_start3A_105 = arith.constant 0 : i32
          %dma_start3A_106 = tpu.memref_slice %arg2[%dma_start3A_104, %dma_start3A_105] : memref<10240x128xf32, #tpu.memory_space<hbm>> -> memref<10240x128xf32, #tpu.memory_space<hbm>>
          tpu.enqueue_indirect_dma source(%dma_start3A_106 : memref<10240x128xf32, #tpu.memory_space<hbm>>) target(%arg10 : memref<128x128xf32, #tpu.memory_space<vmem>>) offsets(%dma_start3A_103 : memref<128xi32, #tpu.memory_space<vmem>>) semaphore(%arg13 : memref<!tpu.dma_semaphore, #tpu.memory_space<semaphore_mem>>)
        } else {
        }
      }
      %scan3A_67 = arith.constant 20 : i32
    }
    %barrier3A_38 = arith.constant 0 : index
    tpu.barrier barrier_id(%barrier3A_38)
    %mul3A_39 = arith.constant 640 : i32
    %mul3A_40 = arith.muli %arg1, %mul3A_39 : i32
    %mul3A_41 = arith.constant 640 : i32
    %mul3A_42 = arith.muli %arg1, %mul3A_41 : i32
    "tpu.region"() ({
      %run_scoped3A = tpu.sem_alloc : memref<!tpu.dma_semaphore, #tpu.memory_space<semaphore_mem>>
      %dma_start3A = arith.constant 0 : i32
      %dma_start3A_43 = tpu.memref_slice %arg6[%arg0, %mul3A_42, %dma_start3A] : memref<2x10240x128xf32, #tpu.memory_space<hbm>> -> memref<1x640x128xf32, #tpu.memory_space<hbm>>
      %dma_start3A_44 = tpu.memref_squeeze %dma_start3A_43 : memref<1x640x128xf32, #tpu.memory_space<hbm>> -> memref<640x128xf32, #tpu.memory_space<hbm>>
      %dma_start3A_45 = arith.constant 0 : i32
      %dma_start3A_46 = tpu.memref_slice %arg11[%mul3A_40, %dma_start3A_45] : memref<10240x128xf32, #tpu.memory_space<vmem_shared>> -> memref<640x128xf32, #tpu.memory_space<vmem_shared>>
      tpu.enqueue_dma source(%dma_start3A_46 : memref<640x128xf32, #tpu.memory_space<vmem_shared>>) target(%dma_start3A_44 : memref<640x128xf32, #tpu.memory_space<hbm>>) target_semaphore(%run_scoped3A : memref<!tpu.dma_semaphore, #tpu.memory_space<semaphore_mem>>)
      %dma_wait3A = arith.constant 0 : i32
      %dma_wait3A_47 = tpu.memref_slice %arg6[%arg0, %mul3A_42, %dma_wait3A] : memref<2x10240x128xf32, #tpu.memory_space<hbm>> -> memref<1x640x128xf32, #tpu.memory_space<hbm>>
      %dma_wait3A_48 = tpu.memref_squeeze %dma_wait3A_47 : memref<1x640x128xf32, #tpu.memory_space<hbm>> -> memref<640x128xf32, #tpu.memory_space<hbm>>
      %dma_wait3A_49 = arith.constant 0 : i32
      %dma_wait3A_50 = tpu.memref_slice %arg11[%mul3A_40, %dma_wait3A_49] : memref<10240x128xf32, #tpu.memory_space<vmem_shared>> -> memref<640x128xf32, #tpu.memory_space<vmem_shared>>
      tpu.wait_dma2 semaphore(%run_scoped3A : memref<!tpu.dma_semaphore, #tpu.memory_space<semaphore_mem>>) src(%dma_wait3A_50 : memref<640x128xf32, #tpu.memory_space<vmem_shared>>) dst(%dma_wait3A_48 : memref<640x128xf32, #tpu.memory_space<hbm>>)
      tpu.yield
    }) : () -> ()
    return
  }
}

#map = affine_map<(d0, d1) -> (0, 0)>
#map1 = affine_map<(d0, d1) -> (0, 0, 0)>
module attributes {stable_mosaic.version = 14 : i64} {
  func.func @_edge_body(%arg0: i32, %arg1: i32, %arg2: memref<10240x128xf32, #tpu.memory_space<hbm>>, %arg3: memref<2560x128xi32, #tpu.memory_space<hbm>>, %arg4: memref<2560x128xi32, #tpu.memory_space<hbm>>, %arg5: memref<640x128xf32, #tpu.memory_space<hbm>>, %arg6: memref<2x10240x128xf32, #tpu.memory_space<hbm>>, %arg7: memref<40x128xi32, #tpu.memory_space<vmem>>, %arg8: memref<40x128xi32, #tpu.memory_space<vmem>>, %arg9: memref<128x128xf32, #tpu.memory_space<vmem>>, %arg10: memref<128x128xf32, #tpu.memory_space<vmem>>, %arg11: memref<10240x128xf32, #tpu.memory_space<vmem_shared>>, %arg12: memref<!tpu.dma_semaphore, #tpu.memory_space<semaphore_mem>>, %arg13: memref<!tpu.dma_semaphore, #tpu.memory_space<semaphore_mem>>) attributes {dimension_semantics = [#tpu.dimension_semantics<core_parallel>, #tpu.dimension_semantics<subcore_parallel>], iteration_bounds = array<i64: 2, 16>, scalar_prefetch = 0 : i64, scratch_operands = 7 : i64, tpu.core_type = #tpu.core_type<sc_vector_subcore>, window_params = [{transform_indices = #map}, {transform_indices = #map}, {transform_indices = #map}, {transform_indices = #map}, {transform_indices = #map1}]} {
    %eq3A = arith.constant 0 : i32
    %eq3A_0 = arith.cmpi eq, %arg0, %eq3A : i32
    %jit3A = arith.constant 80 : i32
    %jit3A_1 = arith.constant 80 : i32
    %select_n3A = arith.select %eq3A_0, %jit3A, %jit3A_1 : i32
    %eq3A_2 = arith.constant 0 : i32
    %eq3A_3 = arith.cmpi eq, %arg0, %eq3A_2 : i32
    %mul3A = arith.constant 80 : i32
    %mul3A_4 = arith.muli %arg1, %mul3A : i32
    %mul3A_5 = arith.constant 80 : i32
    %mul3A_6 = arith.muli %arg1, %mul3A_5 : i32
    %add3A = arith.constant 1280 : i32
    %add3A_7 = arith.addi %add3A, %mul3A_6 : i32
    %select_n3A_8 = arith.select %eq3A_3, %mul3A_4, %add3A_7 : i32
    %mul3A_9 = arith.constant 640 : i32
    %mul3A_10 = arith.muli %arg1, %mul3A_9 : i32
    "tpu.region"() ({
      %run_scoped3A = tpu.sem_alloc : memref<!tpu.dma_semaphore, #tpu.memory_space<semaphore_mem>>
      %dma_start3A = arith.constant 0 : i32
      %dma_start3A_43 = tpu.memref_slice %arg11[%mul3A_10, %dma_start3A] : memref<10240x128xf32, #tpu.memory_space<vmem_shared>> -> memref<640x128xf32, #tpu.memory_space<vmem_shared>>
      tpu.enqueue_dma source(%arg5 : memref<640x128xf32, #tpu.memory_space<hbm>>) target(%dma_start3A_43 : memref<640x128xf32, #tpu.memory_space<vmem_shared>>) target_semaphore(%run_scoped3A : memref<!tpu.dma_semaphore, #tpu.memory_space<semaphore_mem>>)
      %dma_wait3A = arith.constant 0 : i32
      %dma_wait3A_44 = tpu.memref_slice %arg11[%mul3A_10, %dma_wait3A] : memref<10240x128xf32, #tpu.memory_space<vmem_shared>> -> memref<640x128xf32, #tpu.memory_space<vmem_shared>>
      tpu.wait_dma2 semaphore(%run_scoped3A : memref<!tpu.dma_semaphore, #tpu.memory_space<semaphore_mem>>) src(%arg5 : memref<640x128xf32, #tpu.memory_space<hbm>>) dst(%dma_wait3A_44 : memref<640x128xf32, #tpu.memory_space<vmem_shared>>)
      tpu.yield
    }) : () -> ()
    %barrier3A = arith.constant 0 : index
    tpu.barrier barrier_id(%barrier3A)
    %jit3A_11 = arith.constant 40 : i32
    %div3A = arith.divsi %select_n3A, %jit3A_11 : i32
    %sign3A = arith.constant 0 : i32
    %sign3A_12 = arith.cmpi sgt, %select_n3A, %sign3A : i32
    %sign3A_13 = arith.extui %sign3A_12 : i1 to i32
    %sign3A_14 = arith.constant 0 : i32
    %sign3A_15 = arith.cmpi slt, %select_n3A, %sign3A_14 : i32
    %sign3A_16 = arith.extui %sign3A_15 : i1 to i32
    %sign3A_17 = arith.subi %sign3A_13, %sign3A_16 : i32
    %sign3A_18 = arith.constant 0 : i32
    %sign3A_19 = arith.cmpi sgt, %jit3A_11, %sign3A_18 : i32
    %sign3A_20 = arith.extui %sign3A_19 : i1 to i32
    %sign3A_21 = arith.constant 0 : i32
    %sign3A_22 = arith.cmpi slt, %jit3A_11, %sign3A_21 : i32
    %sign3A_23 = arith.extui %sign3A_22 : i1 to i32
    %sign3A_24 = arith.subi %sign3A_20, %sign3A_23 : i32
    %ne3A = arith.cmpi ne, %sign3A_17, %sign3A_24 : i32
    %rem3A = arith.remsi %select_n3A, %jit3A_11 : i32
    %ne3A_25 = arith.constant 0 : i32
    %ne3A_26 = arith.cmpi ne, %rem3A, %ne3A_25 : i32
    %and3A = arith.andi %ne3A, %ne3A_26 : i1
    %sub3A = arith.constant 1 : i32
    %sub3A_27 = arith.subi %div3A, %sub3A : i32
    %select_n3A_28 = arith.select %and3A, %sub3A_27, %div3A : i32
    %while3A = arith.constant 0 : i32
    %while3A_29 = arith.constant 0 : i32
    %while3A_30 = arith.subi %select_n3A_28, %while3A_29 : i32
    %while3A_31 = arith.addi %while3A_29, %while3A_30 : i32
    %while3A_32 = arith.constant 1 : i32
    %while3A_33 = arith.divsi %while3A_30, %while3A_32 : i32
    %while3A_34 = arith.muli %while3A_33, %while3A_32 : i32
    %while3A_35 = arith.addi %while3A_29, %while3A_34 : i32
    %while3A_36 = arith.constant 1 : i32
    scf.for %while3A_43 = %while3A_29 to %while3A_35 step %while3A_36  : i32 {
      %mul3A_44 = arith.constant 40 : i32
      %mul3A_45 = arith.muli %while3A_43, %mul3A_44 : i32
      %add3A_46 = arith.addi %select_n3A_8, %mul3A_45 : i32
      "tpu.region"() ({
        %run_scoped3A = tpu.sem_alloc : memref<!tpu.dma_semaphore, #tpu.memory_space<semaphore_mem>>
        %dma_start3A_68 = arith.constant 0 : i32
        %dma_start3A_69 = tpu.memref_slice %arg3[%add3A_46, %dma_start3A_68] : memref<2560x128xi32, #tpu.memory_space<hbm>> -> memref<40x128xi32, #tpu.memory_space<hbm>>
        %dma_start3A_70 = arith.constant 0 : i32
        %dma_start3A_71 = tpu.memref_slice %arg3[%add3A_46, %dma_start3A_70] : memref<2560x128xi32, #tpu.memory_space<hbm>> -> memref<40x128xi32, #tpu.memory_space<hbm>>
        tpu.enqueue_dma source(%dma_start3A_71 : memref<40x128xi32, #tpu.memory_space<hbm>>) target(%arg7 : memref<40x128xi32, #tpu.memory_space<vmem>>) target_semaphore(%run_scoped3A : memref<!tpu.dma_semaphore, #tpu.memory_space<semaphore_mem>>)
        %dma_wait3A = arith.constant 0 : i32
        %dma_wait3A_72 = tpu.memref_slice %arg3[%add3A_46, %dma_wait3A] : memref<2560x128xi32, #tpu.memory_space<hbm>> -> memref<40x128xi32, #tpu.memory_space<hbm>>
        %dma_wait3A_73 = arith.constant 0 : i32
        %dma_wait3A_74 = tpu.memref_slice %arg3[%add3A_46, %dma_wait3A_73] : memref<2560x128xi32, #tpu.memory_space<hbm>> -> memref<40x128xi32, #tpu.memory_space<hbm>>
        tpu.wait_dma2 semaphore(%run_scoped3A : memref<!tpu.dma_semaphore, #tpu.memory_space<semaphore_mem>>) src(%dma_wait3A_74 : memref<40x128xi32, #tpu.memory_space<hbm>>) dst(%arg7 : memref<40x128xi32, #tpu.memory_space<vmem>>)
        tpu.yield
      }) : () -> ()
      %mul3A_47 = arith.constant 40 : i32
      %mul3A_48 = arith.muli %while3A_43, %mul3A_47 : i32
      %add3A_49 = arith.addi %select_n3A_8, %mul3A_48 : i32
      "tpu.region"() ({
        %run_scoped3A = tpu.sem_alloc : memref<!tpu.dma_semaphore, #tpu.memory_space<semaphore_mem>>
        %dma_start3A_68 = arith.constant 0 : i32
        %dma_start3A_69 = tpu.memref_slice %arg4[%add3A_49, %dma_start3A_68] : memref<2560x128xi32, #tpu.memory_space<hbm>> -> memref<40x128xi32, #tpu.memory_space<hbm>>
        %dma_start3A_70 = arith.constant 0 : i32
        %dma_start3A_71 = tpu.memref_slice %arg4[%add3A_49, %dma_start3A_70] : memref<2560x128xi32, #tpu.memory_space<hbm>> -> memref<40x128xi32, #tpu.memory_space<hbm>>
        tpu.enqueue_dma source(%dma_start3A_71 : memref<40x128xi32, #tpu.memory_space<hbm>>) target(%arg8 : memref<40x128xi32, #tpu.memory_space<vmem>>) target_semaphore(%run_scoped3A : memref<!tpu.dma_semaphore, #tpu.memory_space<semaphore_mem>>)
        %dma_wait3A = arith.constant 0 : i32
        %dma_wait3A_72 = tpu.memref_slice %arg4[%add3A_49, %dma_wait3A] : memref<2560x128xi32, #tpu.memory_space<hbm>> -> memref<40x128xi32, #tpu.memory_space<hbm>>
        %dma_wait3A_73 = arith.constant 0 : i32
        %dma_wait3A_74 = tpu.memref_slice %arg4[%add3A_49, %dma_wait3A_73] : memref<2560x128xi32, #tpu.memory_space<hbm>> -> memref<40x128xi32, #tpu.memory_space<hbm>>
        tpu.wait_dma2 semaphore(%run_scoped3A : memref<!tpu.dma_semaphore, #tpu.memory_space<semaphore_mem>>) src(%dma_wait3A_74 : memref<40x128xi32, #tpu.memory_space<hbm>>) dst(%arg8 : memref<40x128xi32, #tpu.memory_space<vmem>>)
        tpu.yield
      }) : () -> ()
      %dma_start3A = arith.constant 0 : i32
      %dma_start3A_50 = arith.constant 0 : i32
      %dma_start3A_51 = tpu.memref_slice %arg7[%dma_start3A, %dma_start3A_50] : memref<40x128xi32, #tpu.memory_space<vmem>> -> memref<1x128xi32, #tpu.memory_space<vmem>>
      %dma_start3A_52 = tpu.memref_squeeze %dma_start3A_51 : memref<1x128xi32, #tpu.memory_space<vmem>> -> memref<128xi32, #tpu.memory_space<vmem>>
      %dma_start3A_53 = arith.constant 0 : i32
      %dma_start3A_54 = arith.constant 0 : i32
      %dma_start3A_55 = tpu.memref_slice %arg2[%dma_start3A_53, %dma_start3A_54] : memref<10240x128xf32, #tpu.memory_space<hbm>> -> memref<10240x128xf32, #tpu.memory_space<hbm>>
      tpu.enqueue_indirect_dma source(%dma_start3A_55 : memref<10240x128xf32, #tpu.memory_space<hbm>>) target(%arg9 : memref<128x128xf32, #tpu.memory_space<vmem>>) offsets(%dma_start3A_52 : memref<128xi32, #tpu.memory_space<vmem>>) semaphore(%arg12 : memref<!tpu.dma_semaphore, #tpu.memory_space<semaphore_mem>>)
      %dma_start3A_56 = arith.constant 1 : i32
      %dma_start3A_57 = arith.constant 0 : i32
      %dma_start3A_58 = tpu.memref_slice %arg7[%dma_start3A_56, %dma_start3A_57] : memref<40x128xi32, #tpu.memory_space<vmem>> -> memref<1x128xi32, #tpu.memory_space<vmem>>
      %dma_start3A_59 = tpu.memref_squeeze %dma_start3A_58 : memref<1x128xi32, #tpu.memory_space<vmem>> -> memref<128xi32, #tpu.memory_space<vmem>>
      %dma_start3A_60 = arith.constant 0 : i32
      %dma_start3A_61 = arith.constant 0 : i32
      %dma_start3A_62 = tpu.memref_slice %arg2[%dma_start3A_60, %dma_start3A_61] : memref<10240x128xf32, #tpu.memory_space<hbm>> -> memref<10240x128xf32, #tpu.memory_space<hbm>>
      tpu.enqueue_indirect_dma source(%dma_start3A_62 : memref<10240x128xf32, #tpu.memory_space<hbm>>) target(%arg10 : memref<128x128xf32, #tpu.memory_space<vmem>>) offsets(%dma_start3A_59 : memref<128xi32, #tpu.memory_space<vmem>>) semaphore(%arg13 : memref<!tpu.dma_semaphore, #tpu.memory_space<semaphore_mem>>)
      %scan3A = arith.constant 0 : i32
      %scan3A_63 = arith.constant 0 : i32
      %scan3A_64 = arith.constant 20 : i32
      %scan3A_65 = arith.addi %scan3A_63, %scan3A_64 : i32
      %scan3A_66 = arith.constant 1 : i32
      scf.for %scan3A_68 = %scan3A_63 to %scan3A_65 step %scan3A_66  : i32 {
        %mul3A_69 = arith.constant 2 : i32
        %mul3A_70 = arith.muli %scan3A_68, %mul3A_69 : i32
        %add3A_71 = arith.constant 0 : i32
        %add3A_72 = arith.addi %mul3A_70, %add3A_71 : i32
        %dma_wait3A = arith.constant 0 : i32
        %dma_wait3A_73 = arith.constant 0 : i32
        %dma_wait3A_74 = tpu.memref_slice %arg7[%dma_wait3A, %dma_wait3A_73] : memref<40x128xi32, #tpu.memory_space<vmem>> -> memref<1x128xi32, #tpu.memory_space<vmem>>
        %dma_wait3A_75 = tpu.memref_squeeze %dma_wait3A_74 : memref<1x128xi32, #tpu.memory_space<vmem>> -> memref<128xi32, #tpu.memory_space<vmem>>
        %dma_wait3A_76 = arith.constant 0 : i32
        %dma_wait3A_77 = arith.constant 0 : i32
        %dma_wait3A_78 = tpu.memref_slice %arg2[%dma_wait3A_76, %dma_wait3A_77] : memref<10240x128xf32, #tpu.memory_space<hbm>> -> memref<10240x128xf32, #tpu.memory_space<hbm>>
        tpu.wait_indirect_dma semaphore(%arg12 : memref<!tpu.dma_semaphore, #tpu.memory_space<semaphore_mem>>) src(%dma_wait3A_78 : memref<10240x128xf32, #tpu.memory_space<hbm>>) dst(%arg9 : memref<128x128xf32, #tpu.memory_space<vmem>>)
        "tpu.region"() ({
          %run_scoped3A = tpu.sem_alloc : memref<!tpu.dma_semaphore, #tpu.memory_space<semaphore_mem>>
          %dma_start3A_101 = arith.constant 0 : i32
          %dma_start3A_102 = tpu.memref_slice %arg8[%add3A_72, %dma_start3A_101] : memref<40x128xi32, #tpu.memory_space<vmem>> -> memref<1x128xi32, #tpu.memory_space<vmem>>
          %dma_start3A_103 = tpu.memref_squeeze %dma_start3A_102 : memref<1x128xi32, #tpu.memory_space<vmem>> -> memref<128xi32, #tpu.memory_space<vmem>>
          %dma_start3A_104 = arith.constant 0 : i32
          %dma_start3A_105 = arith.constant 0 : i32
          %dma_start3A_106 = tpu.memref_slice %arg11[%dma_start3A_104, %dma_start3A_105] : memref<10240x128xf32, #tpu.memory_space<vmem_shared>> -> memref<10240x128xf32, #tpu.memory_space<vmem_shared>>
          tpu.enqueue_indirect_dma source(%arg9 : memref<128x128xf32, #tpu.memory_space<vmem>>) target(%dma_start3A_106 : memref<10240x128xf32, #tpu.memory_space<vmem_shared>>) offsets(%dma_start3A_103 : memref<128xi32, #tpu.memory_space<vmem>>) semaphore(%run_scoped3A : memref<!tpu.dma_semaphore, #tpu.memory_space<semaphore_mem>>) {add = true}
          %dma_wait3A_107 = arith.constant 0 : i32
          %dma_wait3A_108 = tpu.memref_slice %arg8[%add3A_72, %dma_wait3A_107] : memref<40x128xi32, #tpu.memory_space<vmem>> -> memref<1x128xi32, #tpu.memory_space<vmem>>
          %dma_wait3A_109 = tpu.memref_squeeze %dma_wait3A_108 : memref<1x128xi32, #tpu.memory_space<vmem>> -> memref<128xi32, #tpu.memory_space<vmem>>
          %dma_wait3A_110 = arith.constant 0 : i32
          %dma_wait3A_111 = arith.constant 0 : i32
          %dma_wait3A_112 = tpu.memref_slice %arg11[%dma_wait3A_110, %dma_wait3A_111] : memref<10240x128xf32, #tpu.memory_space<vmem_shared>> -> memref<10240x128xf32, #tpu.memory_space<vmem_shared>>
          tpu.wait_indirect_dma semaphore(%run_scoped3A : memref<!tpu.dma_semaphore, #tpu.memory_space<semaphore_mem>>) src(%arg9 : memref<128x128xf32, #tpu.memory_space<vmem>>) dst(%dma_wait3A_112 : memref<10240x128xf32, #tpu.memory_space<vmem_shared>>)
          tpu.yield
        }) : () -> ()
        %add3A_79 = arith.constant 2 : i32
        %add3A_80 = arith.addi %add3A_72, %add3A_79 : i32
        %lt3A = arith.constant 40 : i32
        %lt3A_81 = arith.cmpi slt, %add3A_80, %lt3A : i32
        %convert_element_type3A = arith.extui %lt3A_81 : i1 to i32
        %cond3A = arith.constant 0 : i32
        %cond3A_82 = arith.cmpi ne, %convert_element_type3A, %cond3A : i32
        scf.if %cond3A_82 {
          %dma_start3A_101 = arith.constant 0 : i32
          %dma_start3A_102 = tpu.memref_slice %arg7[%add3A_80, %dma_start3A_101] : memref<40x128xi32, #tpu.memory_space<vmem>> -> memref<1x128xi32, #tpu.memory_space<vmem>>
          %dma_start3A_103 = tpu.memref_squeeze %dma_start3A_102 : memref<1x128xi32, #tpu.memory_space<vmem>> -> memref<128xi32, #tpu.memory_space<vmem>>
          %dma_start3A_104 = arith.constant 0 : i32
          %dma_start3A_105 = arith.constant 0 : i32
          %dma_start3A_106 = tpu.memref_slice %arg2[%dma_start3A_104, %dma_start3A_105] : memref<10240x128xf32, #tpu.memory_space<hbm>> -> memref<10240x128xf32, #tpu.memory_space<hbm>>
          tpu.enqueue_indirect_dma source(%dma_start3A_106 : memref<10240x128xf32, #tpu.memory_space<hbm>>) target(%arg9 : memref<128x128xf32, #tpu.memory_space<vmem>>) offsets(%dma_start3A_103 : memref<128xi32, #tpu.memory_space<vmem>>) semaphore(%arg12 : memref<!tpu.dma_semaphore, #tpu.memory_space<semaphore_mem>>)
        } else {
        }
        %mul3A_83 = arith.constant 2 : i32
        %mul3A_84 = arith.muli %scan3A_68, %mul3A_83 : i32
        %add3A_85 = arith.constant 1 : i32
        %add3A_86 = arith.addi %mul3A_84, %add3A_85 : i32
        %dma_wait3A_87 = arith.constant 0 : i32
        %dma_wait3A_88 = arith.constant 0 : i32
        %dma_wait3A_89 = tpu.memref_slice %arg7[%dma_wait3A_87, %dma_wait3A_88] : memref<40x128xi32, #tpu.memory_space<vmem>> -> memref<1x128xi32, #tpu.memory_space<vmem>>
        %dma_wait3A_90 = tpu.memref_squeeze %dma_wait3A_89 : memref<1x128xi32, #tpu.memory_space<vmem>> -> memref<128xi32, #tpu.memory_space<vmem>>
        %dma_wait3A_91 = arith.constant 0 : i32
        %dma_wait3A_92 = arith.constant 0 : i32
        %dma_wait3A_93 = tpu.memref_slice %arg2[%dma_wait3A_91, %dma_wait3A_92] : memref<10240x128xf32, #tpu.memory_space<hbm>> -> memref<10240x128xf32, #tpu.memory_space<hbm>>
        tpu.wait_indirect_dma semaphore(%arg13 : memref<!tpu.dma_semaphore, #tpu.memory_space<semaphore_mem>>) src(%dma_wait3A_93 : memref<10240x128xf32, #tpu.memory_space<hbm>>) dst(%arg10 : memref<128x128xf32, #tpu.memory_space<vmem>>)
        "tpu.region"() ({
          %run_scoped3A = tpu.sem_alloc : memref<!tpu.dma_semaphore, #tpu.memory_space<semaphore_mem>>
          %dma_start3A_101 = arith.constant 0 : i32
          %dma_start3A_102 = tpu.memref_slice %arg8[%add3A_86, %dma_start3A_101] : memref<40x128xi32, #tpu.memory_space<vmem>> -> memref<1x128xi32, #tpu.memory_space<vmem>>
          %dma_start3A_103 = tpu.memref_squeeze %dma_start3A_102 : memref<1x128xi32, #tpu.memory_space<vmem>> -> memref<128xi32, #tpu.memory_space<vmem>>
          %dma_start3A_104 = arith.constant 0 : i32
          %dma_start3A_105 = arith.constant 0 : i32
          %dma_start3A_106 = tpu.memref_slice %arg11[%dma_start3A_104, %dma_start3A_105] : memref<10240x128xf32, #tpu.memory_space<vmem_shared>> -> memref<10240x128xf32, #tpu.memory_space<vmem_shared>>
          tpu.enqueue_indirect_dma source(%arg10 : memref<128x128xf32, #tpu.memory_space<vmem>>) target(%dma_start3A_106 : memref<10240x128xf32, #tpu.memory_space<vmem_shared>>) offsets(%dma_start3A_103 : memref<128xi32, #tpu.memory_space<vmem>>) semaphore(%run_scoped3A : memref<!tpu.dma_semaphore, #tpu.memory_space<semaphore_mem>>) {add = true}
          %dma_wait3A_107 = arith.constant 0 : i32
          %dma_wait3A_108 = tpu.memref_slice %arg8[%add3A_86, %dma_wait3A_107] : memref<40x128xi32, #tpu.memory_space<vmem>> -> memref<1x128xi32, #tpu.memory_space<vmem>>
          %dma_wait3A_109 = tpu.memref_squeeze %dma_wait3A_108 : memref<1x128xi32, #tpu.memory_space<vmem>> -> memref<128xi32, #tpu.memory_space<vmem>>
          %dma_wait3A_110 = arith.constant 0 : i32
          %dma_wait3A_111 = arith.constant 0 : i32
          %dma_wait3A_112 = tpu.memref_slice %arg11[%dma_wait3A_110, %dma_wait3A_111] : memref<10240x128xf32, #tpu.memory_space<vmem_shared>> -> memref<10240x128xf32, #tpu.memory_space<vmem_shared>>
          tpu.wait_indirect_dma semaphore(%run_scoped3A : memref<!tpu.dma_semaphore, #tpu.memory_space<semaphore_mem>>) src(%arg10 : memref<128x128xf32, #tpu.memory_space<vmem>>) dst(%dma_wait3A_112 : memref<10240x128xf32, #tpu.memory_space<vmem_shared>>)
          tpu.yield
        }) : () -> ()
        %add3A_94 = arith.constant 2 : i32
        %add3A_95 = arith.addi %add3A_86, %add3A_94 : i32
        %lt3A_96 = arith.constant 40 : i32
        %lt3A_97 = arith.cmpi slt, %add3A_95, %lt3A_96 : i32
        %convert_element_type3A_98 = arith.extui %lt3A_97 : i1 to i32
        %cond3A_99 = arith.constant 0 : i32
        %cond3A_100 = arith.cmpi ne, %convert_element_type3A_98, %cond3A_99 : i32
        scf.if %cond3A_100 {
          %dma_start3A_101 = arith.constant 0 : i32
          %dma_start3A_102 = tpu.memref_slice %arg7[%add3A_95, %dma_start3A_101] : memref<40x128xi32, #tpu.memory_space<vmem>> -> memref<1x128xi32, #tpu.memory_space<vmem>>
          %dma_start3A_103 = tpu.memref_squeeze %dma_start3A_102 : memref<1x128xi32, #tpu.memory_space<vmem>> -> memref<128xi32, #tpu.memory_space<vmem>>
          %dma_start3A_104 = arith.constant 0 : i32
          %dma_start3A_105 = arith.constant 0 : i32
          %dma_start3A_106 = tpu.memref_slice %arg2[%dma_start3A_104, %dma_start3A_105] : memref<10240x128xf32, #tpu.memory_space<hbm>> -> memref<10240x128xf32, #tpu.memory_space<hbm>>
          tpu.enqueue_indirect_dma source(%dma_start3A_106 : memref<10240x128xf32, #tpu.memory_space<hbm>>) target(%arg10 : memref<128x128xf32, #tpu.memory_space<vmem>>) offsets(%dma_start3A_103 : memref<128xi32, #tpu.memory_space<vmem>>) semaphore(%arg13 : memref<!tpu.dma_semaphore, #tpu.memory_space<semaphore_mem>>)
        } else {
        }
      }
      %scan3A_67 = arith.constant 20 : i32
    }
    %while3A_37 = arith.constant 1 : i32
    scf.for %while3A_43 = %while3A_35 to %while3A_31 step %while3A_37  : i32 {
      %mul3A_44 = arith.constant 40 : i32
      %mul3A_45 = arith.muli %while3A_43, %mul3A_44 : i32
      %add3A_46 = arith.addi %select_n3A_8, %mul3A_45 : i32
      "tpu.region"() ({
        %run_scoped3A = tpu.sem_alloc : memref<!tpu.dma_semaphore, #tpu.memory_space<semaphore_mem>>
        %dma_start3A_68 = arith.constant 0 : i32
        %dma_start3A_69 = tpu.memref_slice %arg3[%add3A_46, %dma_start3A_68] : memref<2560x128xi32, #tpu.memory_space<hbm>> -> memref<40x128xi32, #tpu.memory_space<hbm>>
        %dma_start3A_70 = arith.constant 0 : i32
        %dma_start3A_71 = tpu.memref_slice %arg3[%add3A_46, %dma_start3A_70] : memref<2560x128xi32, #tpu.memory_space<hbm>> -> memref<40x128xi32, #tpu.memory_space<hbm>>
        tpu.enqueue_dma source(%dma_start3A_71 : memref<40x128xi32, #tpu.memory_space<hbm>>) target(%arg7 : memref<40x128xi32, #tpu.memory_space<vmem>>) target_semaphore(%run_scoped3A : memref<!tpu.dma_semaphore, #tpu.memory_space<semaphore_mem>>)
        %dma_wait3A = arith.constant 0 : i32
        %dma_wait3A_72 = tpu.memref_slice %arg3[%add3A_46, %dma_wait3A] : memref<2560x128xi32, #tpu.memory_space<hbm>> -> memref<40x128xi32, #tpu.memory_space<hbm>>
        %dma_wait3A_73 = arith.constant 0 : i32
        %dma_wait3A_74 = tpu.memref_slice %arg3[%add3A_46, %dma_wait3A_73] : memref<2560x128xi32, #tpu.memory_space<hbm>> -> memref<40x128xi32, #tpu.memory_space<hbm>>
        tpu.wait_dma2 semaphore(%run_scoped3A : memref<!tpu.dma_semaphore, #tpu.memory_space<semaphore_mem>>) src(%dma_wait3A_74 : memref<40x128xi32, #tpu.memory_space<hbm>>) dst(%arg7 : memref<40x128xi32, #tpu.memory_space<vmem>>)
        tpu.yield
      }) : () -> ()
      %mul3A_47 = arith.constant 40 : i32
      %mul3A_48 = arith.muli %while3A_43, %mul3A_47 : i32
      %add3A_49 = arith.addi %select_n3A_8, %mul3A_48 : i32
      "tpu.region"() ({
        %run_scoped3A = tpu.sem_alloc : memref<!tpu.dma_semaphore, #tpu.memory_space<semaphore_mem>>
        %dma_start3A_68 = arith.constant 0 : i32
        %dma_start3A_69 = tpu.memref_slice %arg4[%add3A_49, %dma_start3A_68] : memref<2560x128xi32, #tpu.memory_space<hbm>> -> memref<40x128xi32, #tpu.memory_space<hbm>>
        %dma_start3A_70 = arith.constant 0 : i32
        %dma_start3A_71 = tpu.memref_slice %arg4[%add3A_49, %dma_start3A_70] : memref<2560x128xi32, #tpu.memory_space<hbm>> -> memref<40x128xi32, #tpu.memory_space<hbm>>
        tpu.enqueue_dma source(%dma_start3A_71 : memref<40x128xi32, #tpu.memory_space<hbm>>) target(%arg8 : memref<40x128xi32, #tpu.memory_space<vmem>>) target_semaphore(%run_scoped3A : memref<!tpu.dma_semaphore, #tpu.memory_space<semaphore_mem>>)
        %dma_wait3A = arith.constant 0 : i32
        %dma_wait3A_72 = tpu.memref_slice %arg4[%add3A_49, %dma_wait3A] : memref<2560x128xi32, #tpu.memory_space<hbm>> -> memref<40x128xi32, #tpu.memory_space<hbm>>
        %dma_wait3A_73 = arith.constant 0 : i32
        %dma_wait3A_74 = tpu.memref_slice %arg4[%add3A_49, %dma_wait3A_73] : memref<2560x128xi32, #tpu.memory_space<hbm>> -> memref<40x128xi32, #tpu.memory_space<hbm>>
        tpu.wait_dma2 semaphore(%run_scoped3A : memref<!tpu.dma_semaphore, #tpu.memory_space<semaphore_mem>>) src(%dma_wait3A_74 : memref<40x128xi32, #tpu.memory_space<hbm>>) dst(%arg8 : memref<40x128xi32, #tpu.memory_space<vmem>>)
        tpu.yield
      }) : () -> ()
      %dma_start3A = arith.constant 0 : i32
      %dma_start3A_50 = arith.constant 0 : i32
      %dma_start3A_51 = tpu.memref_slice %arg7[%dma_start3A, %dma_start3A_50] : memref<40x128xi32, #tpu.memory_space<vmem>> -> memref<1x128xi32, #tpu.memory_space<vmem>>
      %dma_start3A_52 = tpu.memref_squeeze %dma_start3A_51 : memref<1x128xi32, #tpu.memory_space<vmem>> -> memref<128xi32, #tpu.memory_space<vmem>>
      %dma_start3A_53 = arith.constant 0 : i32
      %dma_start3A_54 = arith.constant 0 : i32
      %dma_start3A_55 = tpu.memref_slice %arg2[%dma_start3A_53, %dma_start3A_54] : memref<10240x128xf32, #tpu.memory_space<hbm>> -> memref<10240x128xf32, #tpu.memory_space<hbm>>
      tpu.enqueue_indirect_dma source(%dma_start3A_55 : memref<10240x128xf32, #tpu.memory_space<hbm>>) target(%arg9 : memref<128x128xf32, #tpu.memory_space<vmem>>) offsets(%dma_start3A_52 : memref<128xi32, #tpu.memory_space<vmem>>) semaphore(%arg12 : memref<!tpu.dma_semaphore, #tpu.memory_space<semaphore_mem>>)
      %dma_start3A_56 = arith.constant 1 : i32
      %dma_start3A_57 = arith.constant 0 : i32
      %dma_start3A_58 = tpu.memref_slice %arg7[%dma_start3A_56, %dma_start3A_57] : memref<40x128xi32, #tpu.memory_space<vmem>> -> memref<1x128xi32, #tpu.memory_space<vmem>>
      %dma_start3A_59 = tpu.memref_squeeze %dma_start3A_58 : memref<1x128xi32, #tpu.memory_space<vmem>> -> memref<128xi32, #tpu.memory_space<vmem>>
      %dma_start3A_60 = arith.constant 0 : i32
      %dma_start3A_61 = arith.constant 0 : i32
      %dma_start3A_62 = tpu.memref_slice %arg2[%dma_start3A_60, %dma_start3A_61] : memref<10240x128xf32, #tpu.memory_space<hbm>> -> memref<10240x128xf32, #tpu.memory_space<hbm>>
      tpu.enqueue_indirect_dma source(%dma_start3A_62 : memref<10240x128xf32, #tpu.memory_space<hbm>>) target(%arg10 : memref<128x128xf32, #tpu.memory_space<vmem>>) offsets(%dma_start3A_59 : memref<128xi32, #tpu.memory_space<vmem>>) semaphore(%arg13 : memref<!tpu.dma_semaphore, #tpu.memory_space<semaphore_mem>>)
      %scan3A = arith.constant 0 : i32
      %scan3A_63 = arith.constant 0 : i32
      %scan3A_64 = arith.constant 20 : i32
      %scan3A_65 = arith.addi %scan3A_63, %scan3A_64 : i32
      %scan3A_66 = arith.constant 1 : i32
      scf.for %scan3A_68 = %scan3A_63 to %scan3A_65 step %scan3A_66  : i32 {
        %mul3A_69 = arith.constant 2 : i32
        %mul3A_70 = arith.muli %scan3A_68, %mul3A_69 : i32
        %add3A_71 = arith.constant 0 : i32
        %add3A_72 = arith.addi %mul3A_70, %add3A_71 : i32
        %dma_wait3A = arith.constant 0 : i32
        %dma_wait3A_73 = arith.constant 0 : i32
        %dma_wait3A_74 = tpu.memref_slice %arg7[%dma_wait3A, %dma_wait3A_73] : memref<40x128xi32, #tpu.memory_space<vmem>> -> memref<1x128xi32, #tpu.memory_space<vmem>>
        %dma_wait3A_75 = tpu.memref_squeeze %dma_wait3A_74 : memref<1x128xi32, #tpu.memory_space<vmem>> -> memref<128xi32, #tpu.memory_space<vmem>>
        %dma_wait3A_76 = arith.constant 0 : i32
        %dma_wait3A_77 = arith.constant 0 : i32
        %dma_wait3A_78 = tpu.memref_slice %arg2[%dma_wait3A_76, %dma_wait3A_77] : memref<10240x128xf32, #tpu.memory_space<hbm>> -> memref<10240x128xf32, #tpu.memory_space<hbm>>
        tpu.wait_indirect_dma semaphore(%arg12 : memref<!tpu.dma_semaphore, #tpu.memory_space<semaphore_mem>>) src(%dma_wait3A_78 : memref<10240x128xf32, #tpu.memory_space<hbm>>) dst(%arg9 : memref<128x128xf32, #tpu.memory_space<vmem>>)
        "tpu.region"() ({
          %run_scoped3A = tpu.sem_alloc : memref<!tpu.dma_semaphore, #tpu.memory_space<semaphore_mem>>
          %dma_start3A_101 = arith.constant 0 : i32
          %dma_start3A_102 = tpu.memref_slice %arg8[%add3A_72, %dma_start3A_101] : memref<40x128xi32, #tpu.memory_space<vmem>> -> memref<1x128xi32, #tpu.memory_space<vmem>>
          %dma_start3A_103 = tpu.memref_squeeze %dma_start3A_102 : memref<1x128xi32, #tpu.memory_space<vmem>> -> memref<128xi32, #tpu.memory_space<vmem>>
          %dma_start3A_104 = arith.constant 0 : i32
          %dma_start3A_105 = arith.constant 0 : i32
          %dma_start3A_106 = tpu.memref_slice %arg11[%dma_start3A_104, %dma_start3A_105] : memref<10240x128xf32, #tpu.memory_space<vmem_shared>> -> memref<10240x128xf32, #tpu.memory_space<vmem_shared>>
          tpu.enqueue_indirect_dma source(%arg9 : memref<128x128xf32, #tpu.memory_space<vmem>>) target(%dma_start3A_106 : memref<10240x128xf32, #tpu.memory_space<vmem_shared>>) offsets(%dma_start3A_103 : memref<128xi32, #tpu.memory_space<vmem>>) semaphore(%run_scoped3A : memref<!tpu.dma_semaphore, #tpu.memory_space<semaphore_mem>>) {add = true}
          %dma_wait3A_107 = arith.constant 0 : i32
          %dma_wait3A_108 = tpu.memref_slice %arg8[%add3A_72, %dma_wait3A_107] : memref<40x128xi32, #tpu.memory_space<vmem>> -> memref<1x128xi32, #tpu.memory_space<vmem>>
          %dma_wait3A_109 = tpu.memref_squeeze %dma_wait3A_108 : memref<1x128xi32, #tpu.memory_space<vmem>> -> memref<128xi32, #tpu.memory_space<vmem>>
          %dma_wait3A_110 = arith.constant 0 : i32
          %dma_wait3A_111 = arith.constant 0 : i32
          %dma_wait3A_112 = tpu.memref_slice %arg11[%dma_wait3A_110, %dma_wait3A_111] : memref<10240x128xf32, #tpu.memory_space<vmem_shared>> -> memref<10240x128xf32, #tpu.memory_space<vmem_shared>>
          tpu.wait_indirect_dma semaphore(%run_scoped3A : memref<!tpu.dma_semaphore, #tpu.memory_space<semaphore_mem>>) src(%arg9 : memref<128x128xf32, #tpu.memory_space<vmem>>) dst(%dma_wait3A_112 : memref<10240x128xf32, #tpu.memory_space<vmem_shared>>)
          tpu.yield
        }) : () -> ()
        %add3A_79 = arith.constant 2 : i32
        %add3A_80 = arith.addi %add3A_72, %add3A_79 : i32
        %lt3A = arith.constant 40 : i32
        %lt3A_81 = arith.cmpi slt, %add3A_80, %lt3A : i32
        %convert_element_type3A = arith.extui %lt3A_81 : i1 to i32
        %cond3A = arith.constant 0 : i32
        %cond3A_82 = arith.cmpi ne, %convert_element_type3A, %cond3A : i32
        scf.if %cond3A_82 {
          %dma_start3A_101 = arith.constant 0 : i32
          %dma_start3A_102 = tpu.memref_slice %arg7[%add3A_80, %dma_start3A_101] : memref<40x128xi32, #tpu.memory_space<vmem>> -> memref<1x128xi32, #tpu.memory_space<vmem>>
          %dma_start3A_103 = tpu.memref_squeeze %dma_start3A_102 : memref<1x128xi32, #tpu.memory_space<vmem>> -> memref<128xi32, #tpu.memory_space<vmem>>
          %dma_start3A_104 = arith.constant 0 : i32
          %dma_start3A_105 = arith.constant 0 : i32
          %dma_start3A_106 = tpu.memref_slice %arg2[%dma_start3A_104, %dma_start3A_105] : memref<10240x128xf32, #tpu.memory_space<hbm>> -> memref<10240x128xf32, #tpu.memory_space<hbm>>
          tpu.enqueue_indirect_dma source(%dma_start3A_106 : memref<10240x128xf32, #tpu.memory_space<hbm>>) target(%arg9 : memref<128x128xf32, #tpu.memory_space<vmem>>) offsets(%dma_start3A_103 : memref<128xi32, #tpu.memory_space<vmem>>) semaphore(%arg12 : memref<!tpu.dma_semaphore, #tpu.memory_space<semaphore_mem>>)
        } else {
        }
        %mul3A_83 = arith.constant 2 : i32
        %mul3A_84 = arith.muli %scan3A_68, %mul3A_83 : i32
        %add3A_85 = arith.constant 1 : i32
        %add3A_86 = arith.addi %mul3A_84, %add3A_85 : i32
        %dma_wait3A_87 = arith.constant 0 : i32
        %dma_wait3A_88 = arith.constant 0 : i32
        %dma_wait3A_89 = tpu.memref_slice %arg7[%dma_wait3A_87, %dma_wait3A_88] : memref<40x128xi32, #tpu.memory_space<vmem>> -> memref<1x128xi32, #tpu.memory_space<vmem>>
        %dma_wait3A_90 = tpu.memref_squeeze %dma_wait3A_89 : memref<1x128xi32, #tpu.memory_space<vmem>> -> memref<128xi32, #tpu.memory_space<vmem>>
        %dma_wait3A_91 = arith.constant 0 : i32
        %dma_wait3A_92 = arith.constant 0 : i32
        %dma_wait3A_93 = tpu.memref_slice %arg2[%dma_wait3A_91, %dma_wait3A_92] : memref<10240x128xf32, #tpu.memory_space<hbm>> -> memref<10240x128xf32, #tpu.memory_space<hbm>>
        tpu.wait_indirect_dma semaphore(%arg13 : memref<!tpu.dma_semaphore, #tpu.memory_space<semaphore_mem>>) src(%dma_wait3A_93 : memref<10240x128xf32, #tpu.memory_space<hbm>>) dst(%arg10 : memref<128x128xf32, #tpu.memory_space<vmem>>)
        "tpu.region"() ({
          %run_scoped3A = tpu.sem_alloc : memref<!tpu.dma_semaphore, #tpu.memory_space<semaphore_mem>>
          %dma_start3A_101 = arith.constant 0 : i32
          %dma_start3A_102 = tpu.memref_slice %arg8[%add3A_86, %dma_start3A_101] : memref<40x128xi32, #tpu.memory_space<vmem>> -> memref<1x128xi32, #tpu.memory_space<vmem>>
          %dma_start3A_103 = tpu.memref_squeeze %dma_start3A_102 : memref<1x128xi32, #tpu.memory_space<vmem>> -> memref<128xi32, #tpu.memory_space<vmem>>
          %dma_start3A_104 = arith.constant 0 : i32
          %dma_start3A_105 = arith.constant 0 : i32
          %dma_start3A_106 = tpu.memref_slice %arg11[%dma_start3A_104, %dma_start3A_105] : memref<10240x128xf32, #tpu.memory_space<vmem_shared>> -> memref<10240x128xf32, #tpu.memory_space<vmem_shared>>
          tpu.enqueue_indirect_dma source(%arg10 : memref<128x128xf32, #tpu.memory_space<vmem>>) target(%dma_start3A_106 : memref<10240x128xf32, #tpu.memory_space<vmem_shared>>) offsets(%dma_start3A_103 : memref<128xi32, #tpu.memory_space<vmem>>) semaphore(%run_scoped3A : memref<!tpu.dma_semaphore, #tpu.memory_space<semaphore_mem>>) {add = true}
          %dma_wait3A_107 = arith.constant 0 : i32
          %dma_wait3A_108 = tpu.memref_slice %arg8[%add3A_86, %dma_wait3A_107] : memref<40x128xi32, #tpu.memory_space<vmem>> -> memref<1x128xi32, #tpu.memory_space<vmem>>
          %dma_wait3A_109 = tpu.memref_squeeze %dma_wait3A_108 : memref<1x128xi32, #tpu.memory_space<vmem>> -> memref<128xi32, #tpu.memory_space<vmem>>
          %dma_wait3A_110 = arith.constant 0 : i32
          %dma_wait3A_111 = arith.constant 0 : i32
          %dma_wait3A_112 = tpu.memref_slice %arg11[%dma_wait3A_110, %dma_wait3A_111] : memref<10240x128xf32, #tpu.memory_space<vmem_shared>> -> memref<10240x128xf32, #tpu.memory_space<vmem_shared>>
          tpu.wait_indirect_dma semaphore(%run_scoped3A : memref<!tpu.dma_semaphore, #tpu.memory_space<semaphore_mem>>) src(%arg10 : memref<128x128xf32, #tpu.memory_space<vmem>>) dst(%dma_wait3A_112 : memref<10240x128xf32, #tpu.memory_space<vmem_shared>>)
          tpu.yield
        }) : () -> ()
        %add3A_94 = arith.constant 2 : i32
        %add3A_95 = arith.addi %add3A_86, %add3A_94 : i32
        %lt3A_96 = arith.constant 40 : i32
        %lt3A_97 = arith.cmpi slt, %add3A_95, %lt3A_96 : i32
        %convert_element_type3A_98 = arith.extui %lt3A_97 : i1 to i32
        %cond3A_99 = arith.constant 0 : i32
        %cond3A_100 = arith.cmpi ne, %convert_element_type3A_98, %cond3A_99 : i32
        scf.if %cond3A_100 {
          %dma_start3A_101 = arith.constant 0 : i32
          %dma_start3A_102 = tpu.memref_slice %arg7[%add3A_95, %dma_start3A_101] : memref<40x128xi32, #tpu.memory_space<vmem>> -> memref<1x128xi32, #tpu.memory_space<vmem>>
          %dma_start3A_103 = tpu.memref_squeeze %dma_start3A_102 : memref<1x128xi32, #tpu.memory_space<vmem>> -> memref<128xi32, #tpu.memory_space<vmem>>
          %dma_start3A_104 = arith.constant 0 : i32
          %dma_start3A_105 = arith.constant 0 : i32
          %dma_start3A_106 = tpu.memref_slice %arg2[%dma_start3A_104, %dma_start3A_105] : memref<10240x128xf32, #tpu.memory_space<hbm>> -> memref<10240x128xf32, #tpu.memory_space<hbm>>
          tpu.enqueue_indirect_dma source(%dma_start3A_106 : memref<10240x128xf32, #tpu.memory_space<hbm>>) target(%arg10 : memref<128x128xf32, #tpu.memory_space<vmem>>) offsets(%dma_start3A_103 : memref<128xi32, #tpu.memory_space<vmem>>) semaphore(%arg13 : memref<!tpu.dma_semaphore, #tpu.memory_space<semaphore_mem>>)
        } else {
        }
      }
      %scan3A_67 = arith.constant 20 : i32
    }
    %barrier3A_38 = arith.constant 0 : index
    tpu.barrier barrier_id(%barrier3A_38)
    %mul3A_39 = arith.constant 640 : i32
    %mul3A_40 = arith.muli %arg1, %mul3A_39 : i32
    %mul3A_41 = arith.constant 640 : i32
    %mul3A_42 = arith.muli %arg1, %mul3A_41 : i32
    "tpu.region"() ({
      %run_scoped3A = tpu.sem_alloc : memref<!tpu.dma_semaphore, #tpu.memory_space<semaphore_mem>>
      %dma_start3A = arith.constant 0 : i32
      %dma_start3A_43 = tpu.memref_slice %arg6[%arg0, %mul3A_42, %dma_start3A] : memref<2x10240x128xf32, #tpu.memory_space<hbm>> -> memref<1x640x128xf32, #tpu.memory_space<hbm>>
      %dma_start3A_44 = tpu.memref_squeeze %dma_start3A_43 : memref<1x640x128xf32, #tpu.memory_space<hbm>> -> memref<640x128xf32, #tpu.memory_space<hbm>>
      %dma_start3A_45 = arith.constant 0 : i32
      %dma_start3A_46 = tpu.memref_slice %arg11[%mul3A_40, %dma_start3A_45] : memref<10240x128xf32, #tpu.memory_space<vmem_shared>> -> memref<640x128xf32, #tpu.memory_space<vmem_shared>>
      tpu.enqueue_dma source(%dma_start3A_46 : memref<640x128xf32, #tpu.memory_space<vmem_shared>>) target(%dma_start3A_44 : memref<640x128xf32, #tpu.memory_space<hbm>>) target_semaphore(%run_scoped3A : memref<!tpu.dma_semaphore, #tpu.memory_space<semaphore_mem>>)
      %dma_wait3A = arith.constant 0 : i32
      %dma_wait3A_47 = tpu.memref_slice %arg6[%arg0, %mul3A_42, %dma_wait3A] : memref<2x10240x128xf32, #tpu.memory_space<hbm>> -> memref<1x640x128xf32, #tpu.memory_space<hbm>>
      %dma_wait3A_48 = tpu.memref_squeeze %dma_wait3A_47 : memref<1x640x128xf32, #tpu.memory_space<hbm>> -> memref<640x128xf32, #tpu.memory_space<hbm>>
      %dma_wait3A_49 = arith.constant 0 : i32
      %dma_wait3A_50 = tpu.memref_slice %arg11[%mul3A_40, %dma_wait3A_49] : memref<10240x128xf32, #tpu.memory_space<vmem_shared>> -> memref<640x128xf32, #tpu.memory_space<vmem_shared>>
      tpu.wait_dma2 semaphore(%run_scoped3A : memref<!tpu.dma_semaphore, #tpu.memory_space<semaphore_mem>>) src(%dma_wait3A_50 : memref<640x128xf32, #tpu.memory_space<vmem_shared>>) dst(%dma_wait3A_48 : memref<640x128xf32, #tpu.memory_space<hbm>>)
      tpu.yield
    }) : () -> ()
    return
  }
}

module attributes {stable_mosaic.version = 14 : i64} {
  func.func @_tc2_body(%arg0: memref<2x10240x128xf32, #tpu.memory_space<vmem>>, %arg1: memref<10240x128xf32, #tpu.memory_space<vmem>>, %arg2: memref<10240x2xf32, #tpu.memory_space<vmem>>, %arg3: memref<128x128xf32, #tpu.memory_space<vmem>>, %arg4: memref<1x128xf32, #tpu.memory_space<vmem>>, %arg5: memref<10240x128xf32, #tpu.memory_space<vmem>>) attributes {dimension_semantics = [], scalar_prefetch = 0 : i64, scratch_operands = 0 : i64, tpu.core_type = #tpu.core_type<tc>} {
    %get3A = arith.constant 0 : index
    %get3A_0 = arith.constant 0 : index
    %get3A_1 = vector.load %arg2[%get3A, %get3A_0] : memref<10240x2xf32, #tpu.memory_space<vmem>>, vector<10240x1xf32>
    %add3A = arith.constant 1.000000e+00 : f32
    %add3A_2 = vector.broadcast %add3A : f32 to vector<10240x1xf32>
    %add3A_3 = arith.addf %add3A_2, %get3A_1 : vector<10240x1xf32>
    %get3A_4 = arith.constant 0 : index
    %get3A_5 = arith.constant 1 : index
    %get3A_6 = vector.load %arg2[%get3A_4, %get3A_5] : memref<10240x2xf32, #tpu.memory_space<vmem>>, vector<10240x1xf32>
    %add3A_7 = arith.addf %add3A_3, %get3A_6 : vector<10240x1xf32>
    %rsqrt3A = math.rsqrt %add3A_7 : vector<10240x1xf32>
    %get3A_8 = arith.constant 0 : index
    %get3A_9 = arith.constant 0 : index
    %get3A_10 = arith.constant 0 : index
    %get3A_11 = vector.load %arg0[%get3A_8, %get3A_9, %get3A_10] : memref<2x10240x128xf32, #tpu.memory_space<vmem>>, vector<1x10240x128xf32>
    %get3A_12 = vector.shape_cast %get3A_11 : vector<1x10240x128xf32> to vector<10240x128xf32>
    %get3A_13 = arith.constant 1 : index
    %get3A_14 = arith.constant 0 : index
    %get3A_15 = arith.constant 0 : index
    %get3A_16 = vector.load %arg0[%get3A_13, %get3A_14, %get3A_15] : memref<2x10240x128xf32, #tpu.memory_space<vmem>>, vector<1x10240x128xf32>
    %get3A_17 = vector.shape_cast %get3A_16 : vector<1x10240x128xf32> to vector<10240x128xf32>
    %add3A_18 = arith.addf %get3A_12, %get3A_17 : vector<10240x128xf32>
    %get3A_19 = arith.constant 0 : index
    %get3A_20 = arith.constant 0 : index
    %get3A_21 = vector.load %arg1[%get3A_19, %get3A_20] : memref<10240x128xf32, #tpu.memory_space<vmem>>, vector<10240x128xf32>
    %add3A_22 = arith.addf %add3A_18, %get3A_21 : vector<10240x128xf32>
    %mul3A = vector.broadcast %rsqrt3A : vector<10240x1xf32> to vector<10240x128xf32>
    %mul3A_23 = arith.mulf %mul3A, %add3A_22 : vector<10240x128xf32>
    %get3A_24 = arith.constant 0 : index
    %get3A_25 = arith.constant 0 : index
    %get3A_26 = vector.load %arg4[%get3A_24, %get3A_25] : memref<1x128xf32, #tpu.memory_space<vmem>>, vector<1x128xf32>
    %add3A_27 = vector.broadcast %get3A_26 : vector<1x128xf32> to vector<10240x128xf32>
    %add3A_28 = arith.addf %mul3A_23, %add3A_27 : vector<10240x128xf32>
    %max3A = arith.constant 0.000000e+00 : f32
    %max3A_29 = vector.broadcast %max3A : f32 to vector<10240x128xf32>
    %max3A_30 = arith.maximumf %add3A_28, %max3A_29 : vector<10240x128xf32>
    %get3A_31 = arith.constant 0 : index
    %get3A_32 = arith.constant 0 : index
    %get3A_33 = vector.load %arg3[%get3A_31, %get3A_32] : memref<128x128xf32, #tpu.memory_space<vmem>>, vector<128x128xf32>
    %dot_general3A = arith.constant dense<0.000000e+00> : vector<10240x128xf32>
    %dot_general3A_34 = tpu.matmul %max3A_30, %get3A_33, %dot_general3A {dimension_numbers = #tpu.dot_dimension_numbers<[1], [0], [0], [1], [0, 0, 1, 1], [], []>, transpose_lhs_hint = false} : vector<10240x128xf32>, vector<128x128xf32>, vector<10240x128xf32> -> vector<10240x128xf32>
    %mul3A_35 = vector.broadcast %rsqrt3A : vector<10240x1xf32> to vector<10240x128xf32>
    %mul3A_36 = arith.mulf %mul3A_35, %dot_general3A_34 : vector<10240x128xf32>
    %swap3A = arith.constant 0 : index
    %swap3A_37 = arith.constant 0 : index
    %swap3A_38 = vector.load %arg5[%swap3A, %swap3A_37] : memref<10240x128xf32, #tpu.memory_space<vmem>>, vector<10240x128xf32>
    tpu.vector_store %arg5[%swap3A, %swap3A_37], %mul3A_36 {strides = array<i32>} : memref<10240x128xf32, #tpu.memory_space<vmem>>, vector<10240x128xf32>,
    return
  }
}

module attributes {stable_mosaic.version = 14 : i64} {
  func.func @_tc1_body(%arg0: memref<10240x128xf32, #tpu.memory_space<vmem>>, %arg1: memref<128x128xf32, #tpu.memory_space<vmem>>, %arg2: memref<10240x2xf32, #tpu.memory_space<vmem>>, %arg3: memref<10240x128xf32, #tpu.memory_space<vmem>>) attributes {dimension_semantics = [], scalar_prefetch = 0 : i64, scratch_operands = 0 : i64, tpu.core_type = #tpu.core_type<tc>} {
    %get3A = arith.constant 0 : index
    %get3A_0 = arith.constant 0 : index
    %get3A_1 = vector.load %arg2[%get3A, %get3A_0] : memref<10240x2xf32, #tpu.memory_space<vmem>>, vector<10240x1xf32>
    %add3A = arith.constant 1.000000e+00 : f32
    %add3A_2 = vector.broadcast %add3A : f32 to vector<10240x1xf32>
    %add3A_3 = arith.addf %add3A_2, %get3A_1 : vector<10240x1xf32>
    %get3A_4 = arith.constant 0 : index
    %get3A_5 = arith.constant 1 : index
    %get3A_6 = vector.load %arg2[%get3A_4, %get3A_5] : memref<10240x2xf32, #tpu.memory_space<vmem>>, vector<10240x1xf32>
    %add3A_7 = arith.addf %add3A_3, %get3A_6 : vector<10240x1xf32>
    %rsqrt3A = math.rsqrt %add3A_7 : vector<10240x1xf32>
    %get3A_8 = arith.constant 0 : index
    %get3A_9 = arith.constant 0 : index
    %get3A_10 = vector.load %arg0[%get3A_8, %get3A_9] : memref<10240x128xf32, #tpu.memory_space<vmem>>, vector<10240x128xf32>
    %get3A_11 = arith.constant 0 : index
    %get3A_12 = arith.constant 0 : index
    %get3A_13 = vector.load %arg1[%get3A_11, %get3A_12] : memref<128x128xf32, #tpu.memory_space<vmem>>, vector<128x128xf32>
    %dot_general3A = arith.constant dense<0.000000e+00> : vector<10240x128xf32>
    %dot_general3A_14 = tpu.matmul %get3A_10, %get3A_13, %dot_general3A {dimension_numbers = #tpu.dot_dimension_numbers<[1], [0], [0], [1], [0, 0, 1, 1], [], []>, transpose_lhs_hint = false} : vector<10240x128xf32>, vector<128x128xf32>, vector<10240x128xf32> -> vector<10240x128xf32>
    %mul3A = vector.broadcast %rsqrt3A : vector<10240x1xf32> to vector<10240x128xf32>
    %mul3A_15 = arith.mulf %mul3A, %dot_general3A_14 : vector<10240x128xf32>
    %swap3A = arith.constant 0 : index
    %swap3A_16 = arith.constant 0 : index
    %swap3A_17 = vector.load %arg3[%swap3A, %swap3A_16] : memref<10240x128xf32, #tpu.memory_space<vmem>>, vector<10240x128xf32>
    tpu.vector_store %arg3[%swap3A, %swap3A_16], %mul3A_15 {strides = array<i32>} : memref<10240x128xf32, #tpu.memory_space<vmem>>, vector<10240x128xf32>,
    return
  }
}

module attributes {stable_mosaic.version = 14 : i64} {
  func.func @_tc3_body(%arg0: memref<2x10240x128xf32, #tpu.memory_space<vmem>>, %arg1: memref<10240x128xf32, #tpu.memory_space<vmem>>, %arg2: memref<10240x2xf32, #tpu.memory_space<vmem>>, %arg3: memref<1x128xf32, #tpu.memory_space<vmem>>, %arg4: memref<1x10240xi32, #tpu.memory_space<vmem>>, %arg5: memref<128x2xf32, #tpu.memory_space<vmem>>, %arg6: memref<1x2xf32, #tpu.memory_space<vmem>>, %arg7: memref<64x2xf32, #tpu.memory_space<vmem>>) attributes {dimension_semantics = [], scalar_prefetch = 0 : i64, scratch_operands = 0 : i64, tpu.core_type = #tpu.core_type<tc>} {
    %get3A = arith.constant 0 : index
    %get3A_0 = arith.constant 0 : index
    %get3A_1 = vector.load %arg2[%get3A, %get3A_0] : memref<10240x2xf32, #tpu.memory_space<vmem>>, vector<10240x1xf32>
    %add3A = arith.constant 1.000000e+00 : f32
    %add3A_2 = vector.broadcast %add3A : f32 to vector<10240x1xf32>
    %add3A_3 = arith.addf %add3A_2, %get3A_1 : vector<10240x1xf32>
    %get3A_4 = arith.constant 0 : index
    %get3A_5 = arith.constant 1 : index
    %get3A_6 = vector.load %arg2[%get3A_4, %get3A_5] : memref<10240x2xf32, #tpu.memory_space<vmem>>, vector<10240x1xf32>
    %add3A_7 = arith.addf %add3A_3, %get3A_6 : vector<10240x1xf32>
    %rsqrt3A = math.rsqrt %add3A_7 : vector<10240x1xf32>
    %get3A_8 = arith.constant 0 : index
    %get3A_9 = arith.constant 0 : index
    %get3A_10 = arith.constant 0 : index
    %get3A_11 = vector.load %arg0[%get3A_8, %get3A_9, %get3A_10] : memref<2x10240x128xf32, #tpu.memory_space<vmem>>, vector<1x10240x128xf32>
    %get3A_12 = vector.shape_cast %get3A_11 : vector<1x10240x128xf32> to vector<10240x128xf32>
    %get3A_13 = arith.constant 1 : index
    %get3A_14 = arith.constant 0 : index
    %get3A_15 = arith.constant 0 : index
    %get3A_16 = vector.load %arg0[%get3A_13, %get3A_14, %get3A_15] : memref<2x10240x128xf32, #tpu.memory_space<vmem>>, vector<1x10240x128xf32>
    %get3A_17 = vector.shape_cast %get3A_16 : vector<1x10240x128xf32> to vector<10240x128xf32>
    %add3A_18 = arith.addf %get3A_12, %get3A_17 : vector<10240x128xf32>
    %get3A_19 = arith.constant 0 : index
    %get3A_20 = arith.constant 0 : index
    %get3A_21 = vector.load %arg1[%get3A_19, %get3A_20] : memref<10240x128xf32, #tpu.memory_space<vmem>>, vector<10240x128xf32>
    %add3A_22 = arith.addf %add3A_18, %get3A_21 : vector<10240x128xf32>
    %mul3A = vector.broadcast %rsqrt3A : vector<10240x1xf32> to vector<10240x128xf32>
    %mul3A_23 = arith.mulf %mul3A, %add3A_22 : vector<10240x128xf32>
    %get3A_24 = arith.constant 0 : index
    %get3A_25 = arith.constant 0 : index
    %get3A_26 = vector.load %arg3[%get3A_24, %get3A_25] : memref<1x128xf32, #tpu.memory_space<vmem>>, vector<1x128xf32>
    %add3A_27 = vector.broadcast %get3A_26 : vector<1x128xf32> to vector<10240x128xf32>
    %add3A_28 = arith.addf %mul3A_23, %add3A_27 : vector<10240x128xf32>
    %max3A = arith.constant 0.000000e+00 : f32
    %max3A_29 = vector.broadcast %max3A : f32 to vector<10240x128xf32>
    %max3A_30 = arith.maximumf %add3A_28, %max3A_29 : vector<10240x128xf32>
    %iota3A = tpu.iota {dimensions = array<i32: 0>} : vector<64x10240xi32>
    %get3A_31 = arith.constant 0 : index
    %get3A_32 = arith.constant 0 : index
    %get3A_33 = vector.load %arg4[%get3A_31, %get3A_32] : memref<1x10240xi32, #tpu.memory_space<vmem>>, vector<1x10240xi32>
    %eq3A = vector.broadcast %get3A_33 : vector<1x10240xi32> to vector<64x10240xi32>
    %eq3A_34 = arith.cmpi eq, %eq3A, %iota3A : vector<64x10240xi32>
    %convert_element_type3A = arith.extui %eq3A_34 : vector<64x10240xi1> to vector<64x10240xi32>
    %convert_element_type3A_35 = arith.sitofp %convert_element_type3A : vector<64x10240xi32> to vector<64x10240xf32>
    %dot_general3A = arith.constant dense<0.000000e+00> : vector<64x128xf32>
    %dot_general3A_36 = tpu.matmul %convert_element_type3A_35, %max3A_30, %dot_general3A {dimension_numbers = #tpu.dot_dimension_numbers<[1], [0], [0], [1], [0, 0, 1, 1], [], []>, transpose_lhs_hint = false} : vector<64x10240xf32>, vector<10240x128xf32>, vector<64x128xf32> -> vector<64x128xf32>
    %reduce_sum3A = arith.constant dense<0.000000e+00> : vector<64xf32>
    %reduce_sum3A_37 = vector.multi_reduction <add>, %convert_element_type3A_35, %reduce_sum3A [1] : vector<64x10240xf32> to vector<64xf32>
    %broadcast_in_dim3A = vector.shape_cast %reduce_sum3A_37 : vector<64xf32> to vector<64x1xf32>
    %max3A_38 = arith.constant 1.000000e+00 : f32
    %max3A_39 = vector.broadcast %max3A_38 : f32 to vector<64x1xf32>
    %max3A_40 = arith.maximumf %broadcast_in_dim3A, %max3A_39 : vector<64x1xf32>
    %div3A = vector.broadcast %max3A_40 : vector<64x1xf32> to vector<64x128xf32>
    %div3A_41 = arith.divf %dot_general3A_36, %div3A : vector<64x128xf32>
    %get3A_42 = arith.constant 0 : index
    %get3A_43 = arith.constant 0 : index
    %get3A_44 = vector.load %arg5[%get3A_42, %get3A_43] : memref<128x2xf32, #tpu.memory_space<vmem>>, vector<128x2xf32>
    %dot_general3A_45 = arith.constant dense<0.000000e+00> : vector<64x2xf32>
    %dot_general3A_46 = tpu.matmul %div3A_41, %get3A_44, %dot_general3A_45 {dimension_numbers = #tpu.dot_dimension_numbers<[1], [0], [0], [1], [0, 0, 1, 1], [], []>, transpose_lhs_hint = false} : vector<64x128xf32>, vector<128x2xf32>, vector<64x2xf32> -> vector<64x2xf32>
    %get3A_47 = arith.constant 0 : index
    %get3A_48 = arith.constant 0 : index
    %get3A_49 = vector.load %arg6[%get3A_47, %get3A_48] : memref<1x2xf32, #tpu.memory_space<vmem>>, vector<1x2xf32>
    %add3A_50 = vector.broadcast %get3A_49 : vector<1x2xf32> to vector<64x2xf32>
    %add3A_51 = arith.addf %dot_general3A_46, %add3A_50 : vector<64x2xf32>
    %swap3A = arith.constant 0 : index
    %swap3A_52 = arith.constant 0 : index
    %swap3A_53 = vector.load %arg7[%swap3A, %swap3A_52] : memref<64x2xf32, #tpu.memory_space<vmem>>, vector<64x2xf32>
    tpu.vector_store %arg7[%swap3A, %swap3A_52], %add3A_51 {strides = array<i32>} : memref<64x2xf32, #tpu.memory_space<vmem>>, vector<64x2xf32>,
    return
  }
}

</mosaic_0001>

<sc_bundles>
// kernel: kernel.11.cloned.1.call-start
scs
__scs_entry_jumppad:
0x0: {  	(pc) =	sbr.rel $0x88, $3  }
0x1: {  	(tag) =	ssettag $0x0;
	lr =	simm.s32 $0x1  }
0x2: {  	[smem:$0x3F98] =	sst lr;
	_ =	strace $0xD0000000  }
0x3: {  	_ = 	snop  }
0x4: {  	_ = 	snop  }
0x5: {  	_ = 	snop  }
0x6: {  	_ = 	snop  }
0x7: {  	_ = 	snop  }
__scs_overlays_trampoline_lowered:
0x8: {  	[smem:$0x3FA7] =	sst s0  }
0x9: {  	[smem:$0x3FA8] =	sst s1  }
0xa: {  	[smem:$0x3FA9] =	sst s2  }
0xb: {  	[smem:$0x3FAA] =	sst s3  }
0xc: {  	[smem:$0x3FAB] =	sst s4  }
0xd: {  	[smem:$0x3FAC] =	sst s5  }
0xe: {  	[smem:$0x3FAD] =	sst s6  }
0xf: {  	[smem:$0x3FAE] =	sst s7  }
0x10: {  	[smem:$0x3FAF] =	sst s8  }
0x11: {  	[smem:$0x3FB0] =	sst s9;
	s0 =	simm.s32 @!p0 $0x0  }
0x12: {  	s1 =	sld [smem:$0x3F96];
	s0 =	simm.s32 @p0 $0x1  }
0x13: {  	[smem:$0x3FB1] =	sst s0;
	s0 =	simm.s32 @!p1 $0x0  }
0x14: {  	s2 =	sld [smem:$0x3F95];
	s0 =	simm.s32 @p1 $0x1  }
0x15: {  	[smem:$0x3FB2] =	sst s0;
	s0 =	simm.s32 @!p2 $0x0  }
0x16: {  	s3 =	sld [smem:$0x3FDB];
	s0 =	simm.s32 @p2 $0x1  }
0x17: {  	s4 =	simm.s32 $0x1BF5;
	[smem:$0x3FB4] =	sst s0  }
0x18: {  	s0 =	sld [smem:$0x3F97];
	_ =	swait.ge [sflag:s4], $0x0  }
0x19: {  	s7 =	sld [smem:$0x3F98]  }
0x1a: {  	s8 =	sadd.s32 $0xFFFFE003, lr  }
0x1b: {  	s9 =	sadd.s32 $0xFFFFFEF7, lr;
	s5 =	simm.s32 $0xFFFFFFFF;
	p2 =	slt.u32 s8, $0xFFFFF086  }
0x1c: {  	p1 =	slt.u32 s9, $0xF7A;
	s5 =	simm.s32 @!p2 $0x0  }
0x1d: {  	s5 =	simm.s32 @p1 $0x1;
	p0 =	seq.s32 s7, s2  }
0x1e: {  	s7 =	smul.u32 @!p0 $0xF7A, s2;
	p2 =	seq.s32 @!p0 s5, $0x0  }
0x1f: {  	s9 =	smul.u32 $0xF7A, s1;
	s8 =	simm.s32 @!p0 $0x1BF5;
	p2 =	por !p2, p0  }
0x20: {  	[sflag:s8] =	ssyncset.s32 @!p0 $0xFFFFF086;
	s6 =	sadd.s32 @!p0 s3, s7;
	s7 =	simm.s32 @!p0 $0x108  }
0x21: {  	s3 =	sadd.s32 s3, s9;
	s6 =	sadd.s32 @!p0 $0x88, s6;
	s7 =	simm.s32 @p2 $0x1082  }
0x22: {  	[simem:s7], [sflag:s8] =	dma.local @!p0 [hbm:s6], $0xF7A  }
0x23: {  	s9 =	sor.u32 $0xD0000000, s2;
	s6 =	simm.s32 $0x108;
	_ =	swait.ge @!p0 [sflag:s8], $0x0  }
0x24: {  	s3 =	sadd.s32 $0x88, s3;
	s6 =	simm.s32 @!p1 $0x1082;
	[sflag:s4] =	ssyncset.s32 $0xFFFFF086  }
0x25: {  	[simem:s6], [sflag:s4] =	dma.local [hbm:s3], $0xF7A  }
0x26: {  	[smem:$0x3F98] =	sst s1;
	(tag) =	ssettag s2;
	_ =	strace s9  }
0x27: {  	s1 =	sld [smem:$0x3FA8]  }
0x28: {  	s2 =	sld [smem:$0x3FA9]  }
0x29: {  	s4 =	sld [smem:$0x3FAB]  }
0x2a: {  	p0 =	seq.s32 s5, $0x0;
	s5 =	sld [smem:$0x3FAC]  }
0x2b: {  	s6 =	sld [smem:$0x3FAD]  }
0x2c: {  	s7 =	sld [smem:$0x3FAE]  }
0x2d: {  	s3 =	simm.s32 $0x108;
	s8 =	sld [smem:$0x3FAF]  }
0x2e: {  	s3 =	simm.s32 @!p0 $0x1082;
	s9 =	sld [smem:$0x3FB0]  }
0x2f: {  	lr =	sadd.s32 s0, s3;
	s0 =	sld [smem:$0x3FA7]  }
0x30: {  	s3 =	sld [smem:$0x3FAA]  }
0x31: {  	[smem:$0x3FB3] =	sst s10  }
0x32: {  	s10 =	sld [smem:$0x3FB1];
	_ =	sdelay $0x3  }
0x33: {  	p0 =	seq.s32 s10, $0x1;
	s10 =	sld [smem:$0x3FB3];
	_ =	sdelay $0x3  }
0x34: {  	[smem:$0x3FB3] =	sst s10  }
0x35: {  	s10 =	sld [smem:$0x3FB2];
	_ =	sdelay $0x3  }
0x36: {  	p1 =	seq.s32 s10, $0x1;
	s10 =	sld [smem:$0x3FB3];
	_ =	sdelay $0x3  }
0x37: {  	[smem:$0x3FB3] =	sst s10  }
0x38: {  	s10 =	sld [smem:$0x3FB4]  }
0x39: {  	_ = 	snop;
	(pc) =	sbr.ind lr, $3  }
0x3a: {  	_ = 	snop  }
0x3b: {  	_ = 	snop  }
0x3c: {  	p2 =	seq.s32 s10, $0x1;
	s10 =	sld [smem:$0x3FB3]  }
0x3d: {  	_ =	shalt  }
0x3e: {  	_ =	shalt  }
0x3f: {  	_ =	shalt  }
0x40: {  	_ =	shalt  }
0x41: {  	_ =	shalt  }
0x42: {  	_ =	shalt  }
0x43: {  	_ =	shalt  }
0x44: {  	_ =	shalt  }
0x45: {  	_ =	shalt  }
0x46: {  	_ =	shalt  }
0x47: {  	_ =	shalt  }
0x48: {  	_ =	shalt  }
0x49: {  	_ =	shalt  }
0x4a: {  	_ =	shalt  }
0x4b: {  	_ =	shalt  }
0x4c: {  	_ =	shalt  }
0x4d: {  	_ =	shalt  }
0x4e: {  	_ =	shalt  }
0x4f: {  	_ =	shalt  }
0x50: {  	_ =	shalt  }
0x51: {  	_ =	shalt  }
0x52: {  	_ =	shalt  }
0x53: {  	_ =	shalt  }
0x54: {  	_ =	shalt  }
0x55: {  	_ =	shalt  }
0x56: {  	_ =	shalt  }
0x57: {  	_ =	shalt  }
0x58: {  	_ =	shalt  }
0x59: {  	_ =	shalt  }
0x5a: {  	_ =	shalt  }
0x5b: {  	_ =	shalt  }
0x5c: {  	_ =	shalt  }
0x5d: {  	_ =	shalt  }
0x5e: {  	_ =	shalt  }
0x5f: {  	_ =	shalt  }
0x60: {  	_ =	shalt  }
0x61: {  	_ =	shalt  }
0x62: {  	_ =	shalt  }
0x63: {  	_ =	shalt  }
0x64: {  	_ =	shalt  }
0x65: {  	_ =	shalt  }
0x66: {  	_ =	shalt  }
0x67: {  	_ =	shalt  }
0x68: {  	_ =	shalt  }
0x69: {  	_ =	shalt  }
0x6a: {  	_ =	shalt  }
0x6b: {  	_ =	shalt  }
0x6c: {  	_ =	shalt  }
0x6d: {  	_ =	shalt  }
0x6e: {  	_ =	shalt  }
0x6f: {  	_ =	shalt  }
0x70: {  	_ =	shalt  }
0x71: {  	_ =	shalt  }
0x72: {  	_ =	shalt  }
0x73: {  	_ =	shalt  }
0x74: {  	_ =	shalt  }
0x75: {  	_ =	shalt  }
0x76: {  	_ =	shalt  }
0x77: {  	_ =	shalt  }
0x78: {  	_ =	shalt  }
0x79: {  	_ =	shalt  }
0x7a: {  	_ =	shalt  }
0x7b: {  	_ =	shalt  }
0x7c: {  	_ =	shalt  }
0x7d: {  	_ =	shalt  }
0x7e: {  	_ =	shalt  }
0x7f: {  	_ =	shalt  }
0x80: {  	_ =	shalt  }
0x81: {  	_ =	shalt  }
0x82: {  	_ =	shalt  }
0x83: {  	_ =	shalt  }
0x84: {  	_ =	shalt  }
0x85: {  	_ =	shalt  }
0x86: {  	_ =	shalt  }
0x87: {  	_ =	shalt  }
.Lfunc_end0:
.L_simem_size_0:
called_computation.1_lowered:
.L_overlay_start_0:
0x88: {  	s2 =	sld [smem:$0x3FD9]  }
0x89: {  	s3 =	sld [smem:$0x3FFE];
	_ =	sdelay $0x1  }
0x8a: {  	s1 =	srdreg.scid  }
0x8b: {  	s0 =	sand.u32 $0x1, s1  }
0x8c: {  	s16 =	sshll.u32 s0, $0xA;
	s2 =	sadd.s32 s3, s2  }
0x8d: {  	s2 =	sadd.s32 s2, s16  }
0x8e: {  	[smem:$0x3FBF] =	sst s2  }
0x8f: {  	_ = 	snop  }
0x90: {  	(tm) =	ssettm $0x1  }
0x91: {  	s17 =	sld [smem:$0x3FFB];
	_ =	sdelay $0x3  }
0x92: {  	_ =	strace s17  }
0x93: {  	s2 =	sld [smem:$0x3FFC];
	_ =	sdelay $0x3  }
0x94: {  	_ =	strace s2  }
0x95: {  	s2 =	sld [smem:$0x3FFD];
	_ =	sdelay $0x3  }
0x96: {  	_ =	strace s2  }
0x97: {  	_ =	strace $0x8FFFFFFF  }
0x98: {  	s18 =	sld [smem:$0x3FDB];
	_ =	sdelay $0x1  }
0x99: {  	s19 =	simm.s32 $_scs_section_size  }
0x9a: {  	s4 =	simm.s32 $_size__tile_overlayer_lowered;
	s5 =	simm.s32 $_tile_overlayer_lowered  }
0x9b: {  	s22 =	simm.s32 $0x1BFF;
	s21 =	sshll.u32 s5, $0x1;
	s2 =	sadd.s32 s19, s18  }
0x9c: {  	s6 =	simm.s32 $0x0;
	s20 =	sshll.u32 s4, $0x1;
	s4 =	sadd.s32 s21, s2  }
0x9d: {  	[timem:s6], [sflag:s22] =	dma.local [hbm:s4], s20  }
0x9e: {  	_ =	swait.ge [sflag:s22], s20  }
0x9f: {  	s3 =	ssub.s32 $0x0, s20;
	[sflag:s22] =	ssyncset.done $0x0  }
0xa0: {  	[sflag:s22] =	ssyncadd.s32 s3;
	_ =	sdelay $0x1  }
0xa1: {  	s23 =	simm.s32 $0x1B8B  }
0xa2: {  	_ =	swait.ge [sflag:s23], $0x1  }
0xa3: {  	[sflag:s23] =	ssyncset.done $0x0  }
0xa4: {  	s25 =	simm.s32 $0x1B8E;
	s24 =	sld [smem:$0x3FFE];
	[sflag:s23] =	ssyncadd.s32 $0xFFFFFFFF  }
0xa5: {  	s26 =	simm.s32 $execute0_lowered;
	[smem:$0x3FD2] =	sst s25  }
0xa6: {  	s4 =	sshll.u32 s26, $0x1;
	_ =	strace $0x80000049;
	[dreg:$0x1] =	wrdreg $0xFFFFFFFF  }
0xa7: {  	s28 =	simm.s32 $_size_execute0_lowered;
	s2 =	sadd.s32 s2, s4;
	[dreg:$0x0] =	wrdreg $0x0  }
0xa8: {  	s4 =	sshll.u32 s28, $0x1;
	[dreg:$0x2] =	wrdreg s2  }
0xa9: {  	[dreg:$0x3] =	wrdreg s4  }
0xaa: {  	[dreg:$0x4] =	wrdreg $0xC0  }
0xab: {  	_ =	task [dreg:s6], $0x5FFFF  }
0xac: {  	[dreg:$0x1] =	wrdreg $0xFFFFFFFF  }
0xad: {  	[dreg:$0x0] =	wrdreg $0x60  }
0xae: {  	[dreg:$0x2] =	wrdreg s24  }
0xaf: {  	[dreg:$0x3] =	wrdreg $0xA8000  }
0xb0: {  	[dreg:$0x4] =	wrdreg $0x9  }
0xb1: {  	_ =	task.clear_ibuf [dreg:s6], $0x5FFFF;
	_ =	strace $0x90000049  }
0xb2: {  	s29 =	simm.s32 $0x9;
	_ =	strace $0x8000004B  }
0xb3: {  	_ =	swait.ge [sflag:s29], $0x1  }
0xb4: {  	[sflag:s29] =	ssyncadd.s32 $0xFFFFFFFF  }
0xb5: {  	_ =	strace $0x9000004B  }
0xb6: {  	_ =	sfence  }
0xb7: {  	s30 =	sld [smem:$0x0];
	_ =	sdelay $0x2  }
0xb8: {  	s31 =	sshll.u32 s1, $0xD;
	s1 =	sshrl.u32 s1, $0x2  }
0xb9: {  	s3 =	sand.u32 $0x4000, s31;
	s1 =	sadd.s32 s1, s30  }
0xba: {  	s0 =	sor.u32 s3, s0;
	s1 =	sshll.u32 s1, $0x11  }
0xbb: {  	s0 =	sor.u32 s1, s0  }
0xbc: {  	s0 =	sadd.s32 $0x8F2B, s0  }
0xbd: {  	[sflag:s0] =	ssyncadd.remote.s32 $0x1  }
0xbe: {  	_ =	sfence.sel $0xFFFF  }
0xbf: {  	[dreg:$0x0] =	wrdreg $0xFFFFFFFF;
	(pc) =	sbr.abs _section_cstart, $3  }
0xc0: {  	[dreg:$0x1] =	wrdreg $0xFFFFFFFF  }
0xc1: {  	_ =	task.clear_ibuf [dreg:s6], $0x2FFFF;
	_ =	strace $0x9FFFFFFF  }
0xc2: {  	(tm) =	ssettm $0x7FFFFFFF  }
0xc3: {  	_ =	shalt  }
tec
execute0_lowered:
.L_overlay_start_1:
0x0: {  	(tag) =	ssettag $0x1  }
0x1: {  	s6 =	rddreg [dreg:$0x0]  }
0x2: {  	s1 =	rddreg [dreg:$0x1]  }
0x3: {  	s0 =	rddreg [dreg:$0x2]  }
0x4: {  	s3 =	simm.s32 $0x0;
	s2 =	srdreg.scid;
	s15 =	simm.s32 $0x1400  }
0x5: {  	s16 =	simm.s32 $0x80;
	s17 =	simm.s32 $0x2800;
	s18 =	simm.s32 $0x6800  }
0x6: {  	s19 =	simm.s32 $0x1;
	s20 =	simm.s32 $0x2;
	s21 =	simm.s32 $0x2700  }
0x7: {  	s22 =	simm.s32 $0x2780;
	[smem:$0x7FF] =	sst s3;
	s7 =	sand.u32 $0x1, s2  }
0x8: {  	s23 =	simm.s32 $0x0;
	s2 =	stileid.u32;
	s8 =	smul.u32 $0x140000, s7  }
0x9: {  	s4 =	sadd.s32 $0x16C00, s6;
	s11 =	sadd.s32 $0x2C00, s6;
	s9 =	smul.u32 $0x14000, s2  }
0xa: {  	s12 =	sadd.s32 $0xCC00, s6;
	s5 =	sadd.s32 $0x3EC00, s6;
	s10 =	smul.u32 $0x50000, s2  }
0xb: {  	_ =	strace $0x8000004A;
	s28 =	ssub.s32 $0x2, s7;
	s14 =	smul.u32 $0x500, s2  }
0xc: {  	p0 =	seq.s32 s7, $0x0;
	s30 =	sshll.u32 s2, $0x6;
	s13 =	sshrl.u32 s28, $0x1  }
0xd: {  	s8 =	sadd.s32 s9, s8;
	s9 =	ssub.s32 s28, s13;
	s29 =	sshrl.u32 s10, $0x2  }
0xe: {  	s10 =	sadd.s32 $0x5000, s14;
	s8 =	sshrl.u32 s8, $0x3;
	s31 =	sadd.s32 s29, s1  }
0xf: {  	s10 =	smov.u32 @p0 s14;
	s8 =	sadd.s32 s8, s6;
	s6 =	sor.u32 $0x1C03, s30  }
0x10: {  	s14 =	sadd.s32 $0x280, s10;
	s13 =	sshrl.u32 s31, $0x3;
	s7 =	sadd.s32 $0x41400, s8  }
0x11: {  	s8 =	smax.u32 s9, $0x1;
	s9 =	sadd.s32 s11, s10;
	s10 =	sadd.s32 s12, s10  }
0x12: {  	s11 =	sadd.s32 s11, s14;
	s12 =	sadd.s32 s12, s14;
	s14 =	simm.s32 $0x3  }
.LBB2_1:
0x13: {  	[spmem:s13], [sflag:s6] =	dma.local [hbm:s5], $0x2800  }
0x14: {  	_ =	swait.ge [sflag:s14], $0x2800  }
0x15: {  	[sflag:s14] =	ssyncset.done $0x0  }
0x16: {  	[sflag:s14] =	ssyncadd.s32 $0xFFFFD800  }
0x17: {  	[bflag:$0x0] =	sbarrier.arrive $0xFFFF  }
0x18: {  	[tilespmem:s3], [sflag:$0x3] =	stream.linear.gather [hbm4b:s9+s3], $0x1400, $0x38;
	[tilespmem:$0x1E800] =	vst v63  }
0x19: {  	_ =	swait.ge [sflag:s14], $0x1400  }
0x1a: {  	[sflag:s14] =	ssyncset.done $0x0  }
0x1b: {  	[sflag:s14] =	ssyncadd.s32 $0xFFFFEC00  }
0x1c: {  	[tilespmem:s15], [sflag:$0x3] =	stream.linear.gather [hbm4b:s10+s3], $0x1400, $0x38;
	[tilespmem:$0x1E800] =	vst v63  }
0x1d: {  	_ =	swait.ge [sflag:s14], $0x1400  }
0x1e: {  	[sflag:s14] =	ssyncset.done $0x0  }
0x1f: {  	[sflag:s14] =	ssyncadd.s32 $0xFFFFEC00  }
0x20: {  	[tilespmem:s17], [sflag:$0x1] =	stream.indirect.gather [hbm4b:s4+s16], $0x80, s3, s16, $0xb8;
	[tilespmem:$0x1E800] =	vst v63  }
0x21: {  	_ = 	snop  }
0x22: {  	[tilespmem:s18], [sflag:$0x2] =	stream.indirect.gather [hbm4b:s4+s16], $0x80, s16, s16, $0xb8;
	[tilespmem:$0x1E800] =	vst v63  }
0x23: {  	_ =	swait.ge [sflag:s19], $0x4000  }
0x24: {  	[sflag:s19] =	ssyncset.done $0x0  }
0x25: {  	s24 =	simm.s32 $0x1400;
	[sflag:s19] =	ssyncadd.s32 $0xFFFFC000  }
0x26: {  	[spmem:s1] =	stream.indirect.scatter.add.f32 [tilespmem:s17], [sflag:$0x3], $0x80, s24, s16, $0xb8;
	[tilespmem:$0x1E800] =	vst v63  }
0x27: {  	_ =	swait.ge [sflag:s14], $0x4000  }
0x28: {  	[sflag:s14] =	ssyncset.done $0x0  }
0x29: {  	s30 =	simm.s32 $0x100;
	[sflag:s14] =	ssyncadd.s32 $0xFFFFC000  }
0x2a: {  	[tilespmem:s17], [sflag:$0x1] =	stream.indirect.gather [hbm4b:s4+s16], $0x80, s30, s16, $0xb8;
	[tilespmem:$0x1E800] =	vst v63  }
0x2b: {  	_ =	swait.ge [sflag:s20], $0x4000  }
0x2c: {  	[sflag:s20] =	ssyncset.done $0x0  }
0x2d: {  	s31 =	simm.s32 $0x1480;
	[sflag:s20] =	ssyncadd.s32 $0xFFFFC000  }
0x2e: {  	[spmem:s1] =	stream.indirect.scatter.add.f32 [tilespmem:s18], [sflag:$0x3], $0x80, s31, s16, $0xb8;
	[tilespmem:$0x1E800] =	vst v63  }
0x2f: {  	_ =	swait.ge [sflag:s14], $0x4000  }
0x30: {  	[sflag:s14] =	ssyncset.done $0x0  }
0x31: {  	s25 =	simm.s32 $0x180;
	s24 =	simm.s32 $0x400;
	[sflag:s14] =	ssyncadd.s32 $0xFFFFC000  }
.LBB2_2:
0x32: {  	[tilespmem:s18], [sflag:$0x2] =	stream.indirect.gather [hbm4b:s4+s16], $0x80, s25, s16, $0xb8;
	[tilespmem:$0x1E800] =	vst v63  }
0x33: {  	s25 =	smov.u32 s24  }
0x34: {  	p0 =	sne.s32 s24, $0x4800;
	s24 =	sadd.s32 $0x400, s24;
	_ =	swait.ge [sflag:s19], $0x4000  }
0x35: {  	s25 =	sshra.s32 s25, $0x2;
	[sflag:s19] =	ssyncset.done $0x0  }
0x36: {  	s26 =	sadd.s32 $0x1400, s25;
	[sflag:s19] =	ssyncadd.s32 $0xFFFFC000  }
0x37: {  	[spmem:s1] =	stream.indirect.scatter.add.f32 [tilespmem:s17], [sflag:$0x3], $0x80, s26, s16, $0xb8;
	[tilespmem:$0x1E800] =	vst v63  }
0x38: {  	_ =	swait.ge [sflag:s14], $0x4000  }
0x39: {  	[sflag:s14] =	ssyncset.done $0x0  }
0x3a: {  	s26 =	sadd.s32 $0x100, s25;
	[sflag:s14] =	ssyncadd.s32 $0xFFFFC000  }
0x3b: {  	[tilespmem:s17], [sflag:$0x1] =	stream.indirect.gather [hbm4b:s4+s16], $0x80, s26, s16, $0xb8;
	[tilespmem:$0x1E800] =	vst v63  }
0x3c: {  	_ =	swait.ge [sflag:s20], $0x4000  }
0x3d: {  	[sflag:s20] =	ssyncset.done $0x0  }
.Ltmp0:
0x3e: {  	s26 =	sadd.s32 $0x1480, s25;
	[sflag:s20] =	ssyncadd.s32 $0xFFFFC000;
	(pc) =	sbr.rel @p0 .LBB2_2-.Ltmp0, $4  }
0x3f: {  	[spmem:s1] =	stream.indirect.scatter.add.f32 [tilespmem:s18], [sflag:$0x3], $0x80, s26, s16, $0xb8;
	[tilespmem:$0x1E800] =	vst v63  }
0x40: {  	_ =	swait.ge [sflag:s14], $0x4000  }
0x41: {  	[sflag:s14] =	ssyncset.done $0x0  }
0x42: {  	s25 =	sadd.s32 $0x180, s25;
	[sflag:s14] =	ssyncadd.s32 $0xFFFFC000  }
0x43: {  	[tilespmem:s18], [sflag:$0x2] =	stream.indirect.gather [hbm4b:s4+s16], $0x80, s25, s16, $0xb8;
	[tilespmem:$0x1E800] =	vst v63  }
0x44: {  	_ =	swait.ge [sflag:s19], $0x4000  }
0x45: {  	[sflag:s19] =	ssyncset.done $0x0  }
0x46: {  	[sflag:s19] =	ssyncadd.s32 $0xFFFFC000  }
0x47: {  	[spmem:s1] =	stream.indirect.scatter.add.f32 [tilespmem:s17], [sflag:$0x3], $0x80, s21, s16, $0xb8;
	[tilespmem:$0x1E800] =	vst v63  }
0x48: {  	_ =	swait.ge [sflag:s14], $0x4000  }
0x49: {  	[sflag:s14] =	ssyncset.done $0x0  }
0x4a: {  	[sflag:s14] =	ssyncadd.s32 $0xFFFFC000  }
0x4b: {  	_ =	swait.ge [sflag:s20], $0x4000  }
0x4c: {  	[sflag:s20] =	ssyncset.done $0x0  }
0x4d: {  	[sflag:s20] =	ssyncadd.s32 $0xFFFFC000  }
0x4e: {  	[spmem:s1] =	stream.indirect.scatter.add.f32 [tilespmem:s18], [sflag:$0x3], $0x80, s22, s16, $0xb8;
	[tilespmem:$0x1E800] =	vst v63  }
0x4f: {  	_ =	swait.ge [sflag:s14], $0x4000  }
0x50: {  	[sflag:s14] =	ssyncset.done $0x0  }
0x51: {  	s24 =	simm.s32 $0x0;
	[sflag:s14] =	ssyncadd.s32 $0xFFFFC000  }
0x52: {  	[tilespmem:s24], [sflag:$0x3] =	stream.linear.gather [hbm4b:s11+s24], $0x1400, $0x38;
	[tilespmem:$0x1E800] =	vst v63  }
0x53: {  	_ =	swait.ge [sflag:s14], $0x1400  }
0x54: {  	[sflag:s14] =	ssyncset.done $0x0  }
0x55: {  	[sflag:s14] =	ssyncadd.s32 $0xFFFFEC00  }
0x56: {  	[tilespmem:s15], [sflag:$0x3] =	stream.linear.gather [hbm4b:s12+s24], $0x1400, $0x38;
	[tilespmem:$0x1E800] =	vst v63  }
0x57: {  	_ =	swait.ge [sflag:s14], $0x1400  }
0x58: {  	[sflag:s14] =	ssyncset.done $0x0  }
0x59: {  	[sflag:s14] =	ssyncadd.s32 $0xFFFFEC00  }
0x5a: {  	[tilespmem:s17], [sflag:$0x1] =	stream.indirect.gather [hbm4b:s4+s16], $0x80, s24, s16, $0xb8;
	[tilespmem:$0x1E800] =	vst v63  }
0x5b: {  	_ = 	snop  }
0x5c: {  	[tilespmem:s18], [sflag:$0x2] =	stream.indirect.gather [hbm4b:s4+s16], $0x80, s16, s16, $0xb8;
	[tilespmem:$0x1E800] =	vst v63  }
0x5d: {  	_ =	swait.ge [sflag:s19], $0x4000  }
0x5e: {  	[sflag:s19] =	ssyncset.done $0x0  }
0x5f: {  	s29 =	simm.s32 $0x1400;
	[sflag:s19] =	ssyncadd.s32 $0xFFFFC000  }
0x60: {  	[spmem:s1] =	stream.indirect.scatter.add.f32 [tilespmem:s17], [sflag:$0x3], $0x80, s29, s16, $0xb8;
	[tilespmem:$0x1E800] =	vst v63  }
0x61: {  	_ =	swait.ge [sflag:s14], $0x4000  }
0x62: {  	[sflag:s14] =	ssyncset.done $0x0  }
0x63: {  	s30 =	simm.s32 $0x100;
	[sflag:s14] =	ssyncadd.s32 $0xFFFFC000  }
0x64: {  	[tilespmem:s17], [sflag:$0x1] =	stream.indirect.gather [hbm4b:s4+s16], $0x80, s30, s16, $0xb8;
	[tilespmem:$0x1E800] =	vst v63  }
0x65: {  	_ =	swait.ge [sflag:s20], $0x4000  }
0x66: {  	[sflag:s20] =	ssyncset.done $0x0  }
0x67: {  	s31 =	simm.s32 $0x1480;
	[sflag:s20] =	ssyncadd.s32 $0xFFFFC000  }
0x68: {  	[spmem:s1] =	stream.indirect.scatter.add.f32 [tilespmem:s18], [sflag:$0x3], $0x80, s31, s16, $0xb8;
	[tilespmem:$0x1E800] =	vst v63  }
0x69: {  	_ =	swait.ge [sflag:s14], $0x4000  }
0x6a: {  	[sflag:s14] =	ssyncset.done $0x0  }
0x6b: {  	s25 =	simm.s32 $0x180;
	s24 =	simm.s32 $0x400;
	[sflag:s14] =	ssyncadd.s32 $0xFFFFC000  }
.LBB2_4:
0x6c: {  	[tilespmem:s18], [sflag:$0x2] =	stream.indirect.gather [hbm4b:s4+s16], $0x80, s25, s16, $0xb8;
	[tilespmem:$0x1E800] =	vst v63  }
0x6d: {  	s25 =	smov.u32 s24  }
0x6e: {  	p0 =	sne.s32 s24, $0x4800;
	s24 =	sadd.s32 $0x400, s24;
	_ =	swait.ge [sflag:s19], $0x4000  }
0x6f: {  	s25 =	sshra.s32 s25, $0x2;
	[sflag:s19] =	ssyncset.done $0x0  }
0x70: {  	s26 =	sadd.s32 $0x1400, s25;
	[sflag:s19] =	ssyncadd.s32 $0xFFFFC000  }
0x71: {  	[spmem:s1] =	stream.indirect.scatter.add.f32 [tilespmem:s17], [sflag:$0x3], $0x80, s26, s16, $0xb8;
	[tilespmem:$0x1E800] =	vst v63  }
0x72: {  	_ =	swait.ge [sflag:s14], $0x4000  }
0x73: {  	[sflag:s14] =	ssyncset.done $0x0  }
0x74: {  	s26 =	sadd.s32 $0x100, s25;
	[sflag:s14] =	ssyncadd.s32 $0xFFFFC000  }
0x75: {  	[tilespmem:s17], [sflag:$0x1] =	stream.indirect.gather [hbm4b:s4+s16], $0x80, s26, s16, $0xb8;
	[tilespmem:$0x1E800] =	vst v63  }
0x76: {  	_ =	swait.ge [sflag:s20], $0x4000  }
0x77: {  	[sflag:s20] =	ssyncset.done $0x0  }
.Ltmp1:
0x78: {  	s26 =	sadd.s32 $0x1480, s25;
	[sflag:s20] =	ssyncadd.s32 $0xFFFFC000;
	(pc) =	sbr.rel @p0 .LBB2_4-.Ltmp1, $4  }
0x79: {  	[spmem:s1] =	stream.indirect.scatter.add.f32 [tilespmem:s18], [sflag:$0x3], $0x80, s26, s16, $0xb8;
	[tilespmem:$0x1E800] =	vst v63  }
0x7a: {  	_ =	swait.ge [sflag:s14], $0x4000  }
0x7b: {  	[sflag:s14] =	ssyncset.done $0x0  }
0x7c: {  	s25 =	sadd.s32 $0x180, s25;
	[sflag:s14] =	ssyncadd.s32 $0xFFFFC000  }
0x7d: {  	[tilespmem:s18], [sflag:$0x2] =	stream.indirect.gather [hbm4b:s4+s16], $0x80, s25, s16, $0xb8;
	[tilespmem:$0x1E800] =	vst v63  }
0x7e: {  	_ =	swait.ge [sflag:s19], $0x4000  }
0x7f: {  	[sflag:s19] =	ssyncset.done $0x0  }
0x80: {  	[sflag:s19] =	ssyncadd.s32 $0xFFFFC000  }
0x81: {  	[spmem:s1] =	stream.indirect.scatter.add.f32 [tilespmem:s17], [sflag:$0x3], $0x80, s21, s16, $0xb8;
	[tilespmem:$0x1E800] =	vst v63  }
0x82: {  	_ =	swait.ge [sflag:s14], $0x4000  }
0x83: {  	[sflag:s14] =	ssyncset.done $0x0  }
0x84: {  	[sflag:s14] =	ssyncadd.s32 $0xFFFFC000  }
0x85: {  	_ =	swait.ge [sflag:s20], $0x4000  }
0x86: {  	[sflag:s20] =	ssyncset.done $0x0  }
0x87: {  	[sflag:s20] =	ssyncadd.s32 $0xFFFFC000  }
0x88: {  	[spmem:s1] =	stream.indirect.scatter.add.f32 [tilespmem:s18], [sflag:$0x3], $0x80, s22, s16, $0xb8;
	[tilespmem:$0x1E800] =	vst v63  }
0x89: {  	_ =	swait.ge [sflag:s14], $0x4000  }
0x8a: {  	s23 =	sadd.s32 $0x1, s23;
	[sflag:s14] =	ssyncset.done $0x0  }
0x8b: {  	p0 =	sne.s32 s23, s8;
	[sflag:s14] =	ssyncadd.s32 $0xFFFFC000  }
.Ltmp2:
0x8c: {  	[bflag:$0x0] =	sbarrier.arrive $0xFFFF;
	(pc) =	sbr.rel @p0 .LBB2_1-.Ltmp2, $4  }
0x8d: {  	[hbm:s7], [sflag:s6] =	dma.local [spmem:s13], $0x2800  }
0x8e: {  	_ =	swait.ge [sflag:s14], $0x2800  }
0x8f: {  	[sflag:s14] =	ssyncset.done $0x0  }
0x90: {  	[sflag:s14] =	ssyncadd.s32 $0xFFFFD800  }
0x91: {  	_ =	sfence.sel $0x180000  }
0x92: {  	[bflag:$0x0] =	sbarrier.arrive $0xFFFF  }
0x93: {  	p0 =	sne.s32 s2, $0x0;
	_ =	strace $0x9000004A  }
0x94: {  	s0 =	sadd.s32 @!p0 $0x100000, s0;
	[bflag:$0x2] =	sbarrier.arrive $0xFFFF  }
0x95: {  	[sflag:s0] =	ssyncadd.tile.s32 @!p0 $0x1;
	_ =	shalt  }
.Lfunc_end2:
_tile_overlayer_lowered:
.L_overlay_start_2:
0x96: {  	(tag) =	ssettag $0x2  }
0x97: {  	s0 =	rddreg [dreg:$0x0];
	s2 =	stileid.u32  }
0x98: {  	s1 =	rddreg [dreg:$0x1];
	p0 =	sne.s32 s2, $0x0  }
0x99: {  	s3 =	rddreg [dreg:$0x2];
	[bflag:$0x3] =	sbarrier.arrive $0xFFFF;
	s2 =	simm.s32 @!p0 $0x1C03  }
0x9a: {  	[timem:s3], [sflag:s2] =	dma.local @!p0 [hbm:s0], s1  }
0x9b: {  	s0 =	simm.s32 @!p0 $0x3  }
0x9c: {  	_ =	swait.ge @!p0 [sflag:s0], s1  }
0x9d: {  	s1 =	ssub.s32 @!p0 $0x0, s1;
	[sflag:s0] =	ssyncset.done @!p0 $0x0  }
0x9e: {  	[sflag:s0] =	ssyncadd.s32 @!p0 s1  }
0x9f: {  	[bflag:$0x3] =	sbarrier.arrive $0xFFFF  }
0xa0: {  	_ =	shalt  }

// kernel: kernel.14.cloned.1.call-start
scs
__scs_entry_jumppad:
0x0: {  	(pc) =	sbr.rel $0x88, $3  }
0x1: {  	(tag) =	ssettag $0x0;
	lr =	simm.s32 $0x1  }
0x2: {  	[smem:$0x3F98] =	sst lr;
	_ =	strace $0xD0000000  }
0x3: {  	_ = 	snop  }
0x4: {  	_ = 	snop  }
0x5: {  	_ = 	snop  }
0x6: {  	_ = 	snop  }
0x7: {  	_ = 	snop  }
__scs_overlays_trampoline_lowered:
0x8: {  	[smem:$0x3FA7] =	sst s0  }
0x9: {  	[smem:$0x3FA8] =	sst s1  }
0xa: {  	[smem:$0x3FA9] =	sst s2  }
0xb: {  	[smem:$0x3FAA] =	sst s3  }
0xc: {  	[smem:$0x3FAB] =	sst s4  }
0xd: {  	[smem:$0x3FAC] =	sst s5  }
0xe: {  	[smem:$0x3FAD] =	sst s6  }
0xf: {  	[smem:$0x3FAE] =	sst s7  }
0x10: {  	[smem:$0x3FAF] =	sst s8  }
0x11: {  	[smem:$0x3FB0] =	sst s9;
	s0 =	simm.s32 @!p0 $0x0  }
0x12: {  	s1 =	sld [smem:$0x3F96];
	s0 =	simm.s32 @p0 $0x1  }
0x13: {  	[smem:$0x3FB1] =	sst s0;
	s0 =	simm.s32 @!p1 $0x0  }
0x14: {  	s2 =	sld [smem:$0x3F95];
	s0 =	simm.s32 @p1 $0x1  }
0x15: {  	[smem:$0x3FB2] =	sst s0;
	s0 =	simm.s32 @!p2 $0x0  }
0x16: {  	s3 =	sld [smem:$0x3FDB];
	s0 =	simm.s32 @p2 $0x1  }
0x17: {  	s4 =	simm.s32 $0x1BF5;
	[smem:$0x3FB4] =	sst s0  }
0x18: {  	s0 =	sld [smem:$0x3F97];
	_ =	swait.ge [sflag:s4], $0x0  }
0x19: {  	s7 =	sld [smem:$0x3F98]  }
0x1a: {  	s8 =	sadd.s32 $0xFFFFE003, lr  }
0x1b: {  	s9 =	sadd.s32 $0xFFFFFEF7, lr;
	s5 =	simm.s32 $0xFFFFFFFF;
	p2 =	slt.u32 s8, $0xFFFFF086  }
0x1c: {  	p1 =	slt.u32 s9, $0xF7A;
	s5 =	simm.s32 @!p2 $0x0  }
0x1d: {  	s5 =	simm.s32 @p1 $0x1;
	p0 =	seq.s32 s7, s2  }
0x1e: {  	s7 =	smul.u32 @!p0 $0xF7A, s2;
	p2 =	seq.s32 @!p0 s5, $0x0  }
0x1f: {  	s9 =	smul.u32 $0xF7A, s1;
	s8 =	simm.s32 @!p0 $0x1BF5;
	p2 =	por !p2, p0  }
0x20: {  	[sflag:s8] =	ssyncset.s32 @!p0 $0xFFFFF086;
	s6 =	sadd.s32 @!p0 s3, s7;
	s7 =	simm.s32 @!p0 $0x108  }
0x21: {  	s3 =	sadd.s32 s3, s9;
	s6 =	sadd.s32 @!p0 $0x88, s6;
	s7 =	simm.s32 @p2 $0x1082  }
0x22: {  	[simem:s7], [sflag:s8] =	dma.local @!p0 [hbm:s6], $0xF7A  }
0x23: {  	s9 =	sor.u32 $0xD0000000, s2;
	s6 =	simm.s32 $0x108;
	_ =	swait.ge @!p0 [sflag:s8], $0x0  }
0x24: {  	s3 =	sadd.s32 $0x88, s3;
	s6 =	simm.s32 @!p1 $0x1082;
	[sflag:s4] =	ssyncset.s32 $0xFFFFF086  }
0x25: {  	[simem:s6], [sflag:s4] =	dma.local [hbm:s3], $0xF7A  }
0x26: {  	[smem:$0x3F98] =	sst s1;
	(tag) =	ssettag s2;
	_ =	strace s9  }
0x27: {  	s1 =	sld [smem:$0x3FA8]  }
0x28: {  	s2 =	sld [smem:$0x3FA9]  }
0x29: {  	s4 =	sld [smem:$0x3FAB]  }
0x2a: {  	p0 =	seq.s32 s5, $0x0;
	s5 =	sld [smem:$0x3FAC]  }
0x2b: {  	s6 =	sld [smem:$0x3FAD]  }
0x2c: {  	s7 =	sld [smem:$0x3FAE]  }
0x2d: {  	s3 =	simm.s32 $0x108;
	s8 =	sld [smem:$0x3FAF]  }
0x2e: {  	s3 =	simm.s32 @!p0 $0x1082;
	s9 =	sld [smem:$0x3FB0]  }
0x2f: {  	lr =	sadd.s32 s0, s3;
	s0 =	sld [smem:$0x3FA7]  }
0x30: {  	s3 =	sld [smem:$0x3FAA]  }
0x31: {  	[smem:$0x3FB3] =	sst s10  }
0x32: {  	s10 =	sld [smem:$0x3FB1];
	_ =	sdelay $0x3  }
0x33: {  	p0 =	seq.s32 s10, $0x1;
	s10 =	sld [smem:$0x3FB3];
	_ =	sdelay $0x3  }
0x34: {  	[smem:$0x3FB3] =	sst s10  }
0x35: {  	s10 =	sld [smem:$0x3FB2];
	_ =	sdelay $0x3  }
0x36: {  	p1 =	seq.s32 s10, $0x1;
	s10 =	sld [smem:$0x3FB3];
	_ =	sdelay $0x3  }
0x37: {  	[smem:$0x3FB3] =	sst s10  }
0x38: {  	s10 =	sld [smem:$0x3FB4]  }
0x39: {  	_ = 	snop;
	(pc) =	sbr.ind lr, $3  }
0x3a: {  	_ = 	snop  }
0x3b: {  	_ = 	snop  }
0x3c: {  	p2 =	seq.s32 s10, $0x1;
	s10 =	sld [smem:$0x3FB3]  }
0x3d: {  	_ =	shalt  }
0x3e: {  	_ =	shalt  }
0x3f: {  	_ =	shalt  }
0x40: {  	_ =	shalt  }
0x41: {  	_ =	shalt  }
0x42: {  	_ =	shalt  }
0x43: {  	_ =	shalt  }
0x44: {  	_ =	shalt  }
0x45: {  	_ =	shalt  }
0x46: {  	_ =	shalt  }
0x47: {  	_ =	shalt  }
0x48: {  	_ =	shalt  }
0x49: {  	_ =	shalt  }
0x4a: {  	_ =	shalt  }
0x4b: {  	_ =	shalt  }
0x4c: {  	_ =	shalt  }
0x4d: {  	_ =	shalt  }
0x4e: {  	_ =	shalt  }
0x4f: {  	_ =	shalt  }
0x50: {  	_ =	shalt  }
0x51: {  	_ =	shalt  }
0x52: {  	_ =	shalt  }
0x53: {  	_ =	shalt  }
0x54: {  	_ =	shalt  }
0x55: {  	_ =	shalt  }
0x56: {  	_ =	shalt  }
0x57: {  	_ =	shalt  }
0x58: {  	_ =	shalt  }
0x59: {  	_ =	shalt  }
0x5a: {  	_ =	shalt  }
0x5b: {  	_ =	shalt  }
0x5c: {  	_ =	shalt  }
0x5d: {  	_ =	shalt  }
0x5e: {  	_ =	shalt  }
0x5f: {  	_ =	shalt  }
0x60: {  	_ =	shalt  }
0x61: {  	_ =	shalt  }
0x62: {  	_ =	shalt  }
0x63: {  	_ =	shalt  }
0x64: {  	_ =	shalt  }
0x65: {  	_ =	shalt  }
0x66: {  	_ =	shalt  }
0x67: {  	_ =	shalt  }
0x68: {  	_ =	shalt  }
0x69: {  	_ =	shalt  }
0x6a: {  	_ =	shalt  }
0x6b: {  	_ =	shalt  }
0x6c: {  	_ =	shalt  }
0x6d: {  	_ =	shalt  }
0x6e: {  	_ =	shalt  }
0x6f: {  	_ =	shalt  }
0x70: {  	_ =	shalt  }
0x71: {  	_ =	shalt  }
0x72: {  	_ =	shalt  }
0x73: {  	_ =	shalt  }
0x74: {  	_ =	shalt  }
0x75: {  	_ =	shalt  }
0x76: {  	_ =	shalt  }
0x77: {  	_ =	shalt  }
0x78: {  	_ =	shalt  }
0x79: {  	_ =	shalt  }
0x7a: {  	_ =	shalt  }
0x7b: {  	_ =	shalt  }
0x7c: {  	_ =	shalt  }
0x7d: {  	_ =	shalt  }
0x7e: {  	_ =	shalt  }
0x7f: {  	_ =	shalt  }
0x80: {  	_ =	shalt  }
0x81: {  	_ =	shalt  }
0x82: {  	_ =	shalt  }
0x83: {  	_ =	shalt  }
0x84: {  	_ =	shalt  }
0x85: {  	_ =	shalt  }
0x86: {  	_ =	shalt  }
0x87: {  	_ =	shalt  }
.Lfunc_end0:
.L_simem_size_0:
called_computation.2_lowered:
.L_overlay_start_0:
0x88: {  	s2 =	sld [smem:$0x3FD9]  }
0x89: {  	s3 =	sld [smem:$0x3FFE];
	_ =	sdelay $0x1  }
0x8a: {  	s1 =	srdreg.scid  }
0x8b: {  	s0 =	sand.u32 $0x1, s1  }
0x8c: {  	s16 =	sshll.u32 s0, $0xA;
	s2 =	sadd.s32 s3, s2  }
0x8d: {  	s2 =	sadd.s32 s2, s16  }
0x8e: {  	[smem:$0x3FBF] =	sst s2  }
0x8f: {  	_ = 	snop  }
0x90: {  	(tm) =	ssettm $0x1  }
0x91: {  	s17 =	sld [smem:$0x3FFB];
	_ =	sdelay $0x3  }
0x92: {  	_ =	strace s17  }
0x93: {  	s2 =	sld [smem:$0x3FFC];
	_ =	sdelay $0x3  }
0x94: {  	_ =	strace s2  }
0x95: {  	s2 =	sld [smem:$0x3FFD];
	_ =	sdelay $0x3  }
0x96: {  	_ =	strace s2  }
0x97: {  	_ =	strace $0x8FFFFFFF  }
0x98: {  	s18 =	sld [smem:$0x3FDB];
	_ =	sdelay $0x1  }
0x99: {  	s19 =	simm.s32 $_scs_section_size  }
0x9a: {  	s4 =	simm.s32 $_size__tile_overlayer_lowered;
	s5 =	simm.s32 $_tile_overlayer_lowered  }
0x9b: {  	s22 =	simm.s32 $0x1BFF;
	s21 =	sshll.u32 s5, $0x1;
	s2 =	sadd.s32 s19, s18  }
0x9c: {  	s6 =	simm.s32 $0x0;
	s20 =	sshll.u32 s4, $0x1;
	s4 =	sadd.s32 s21, s2  }
0x9d: {  	[timem:s6], [sflag:s22] =	dma.local [hbm:s4], s20  }
0x9e: {  	_ =	swait.ge [sflag:s22], s20  }
0x9f: {  	s3 =	ssub.s32 $0x0, s20;
	[sflag:s22] =	ssyncset.done $0x0  }
0xa0: {  	[sflag:s22] =	ssyncadd.s32 s3;
	_ =	sdelay $0x1  }
0xa1: {  	s23 =	simm.s32 $0x1B8B  }
0xa2: {  	_ =	swait.ge [sflag:s23], $0x1  }
0xa3: {  	[sflag:s23] =	ssyncset.done $0x0  }
0xa4: {  	s25 =	simm.s32 $0x1B8E;
	s24 =	sld [smem:$0x3FFE];
	[sflag:s23] =	ssyncadd.s32 $0xFFFFFFFF  }
0xa5: {  	s26 =	simm.s32 $execute0_lowered;
	[smem:$0x3FD2] =	sst s25  }
0xa6: {  	s4 =	sshll.u32 s26, $0x1;
	_ =	strace $0x8000004C;
	[dreg:$0x1] =	wrdreg $0xFFFFFFFF  }
0xa7: {  	s28 =	simm.s32 $_size_execute0_lowered;
	s2 =	sadd.s32 s2, s4;
	[dreg:$0x0] =	wrdreg $0x0  }
0xa8: {  	s4 =	sshll.u32 s28, $0x1;
	[dreg:$0x2] =	wrdreg s2  }
0xa9: {  	[dreg:$0x3] =	wrdreg s4  }
0xaa: {  	[dreg:$0x4] =	wrdreg $0xC0  }
0xab: {  	_ =	task [dreg:s6], $0x5FFFF  }
0xac: {  	[dreg:$0x1] =	wrdreg $0xFFFFFFFF  }
0xad: {  	[dreg:$0x0] =	wrdreg $0x60  }
0xae: {  	[dreg:$0x2] =	wrdreg s24  }
0xaf: {  	[dreg:$0x3] =	wrdreg $0xA8000  }
0xb0: {  	[dreg:$0x4] =	wrdreg $0x9  }
0xb1: {  	_ =	task.clear_ibuf [dreg:s6], $0x5FFFF;
	_ =	strace $0x9000004C  }
0xb2: {  	s29 =	simm.s32 $0x9;
	_ =	strace $0x8000004E  }
0xb3: {  	_ =	swait.ge [sflag:s29], $0x1  }
0xb4: {  	[sflag:s29] =	ssyncadd.s32 $0xFFFFFFFF  }
0xb5: {  	_ =	strace $0x9000004E  }
0xb6: {  	_ =	sfence  }
0xb7: {  	s30 =	sld [smem:$0x0];
	_ =	sdelay $0x2  }
0xb8: {  	s31 =	sshll.u32 s1, $0xD;
	s1 =	sshrl.u32 s1, $0x2  }
0xb9: {  	s3 =	sand.u32 $0x4000, s31;
	s1 =	sadd.s32 s1, s30  }
0xba: {  	s0 =	sor.u32 s3, s0;
	s1 =	sshll.u32 s1, $0x11  }
0xbb: {  	s0 =	sor.u32 s1, s0  }
0xbc: {  	s0 =	sadd.s32 $0x8F2B, s0  }
0xbd: {  	[sflag:s0] =	ssyncadd.remote.s32 $0x1  }
0xbe: {  	_ =	sfence.sel $0xFFFF  }
0xbf: {  	[dreg:$0x0] =	wrdreg $0xFFFFFFFF;
	(pc) =	sbr.abs _section_cstart, $3  }
0xc0: {  	[dreg:$0x1] =	wrdreg $0xFFFFFFFF  }
0xc1: {  	_ =	task.clear_ibuf [dreg:s6], $0x2FFFF;
	_ =	strace $0x9FFFFFFF  }
0xc2: {  	(tm) =	ssettm $0x7FFFFFFF  }
0xc3: {  	_ =	shalt  }
tec
execute0_lowered:
.L_overlay_start_1:
0x0: {  	(tag) =	ssettag $0x1  }
0x1: {  	s6 =	rddreg [dreg:$0x0]  }
0x2: {  	s1 =	rddreg [dreg:$0x1]  }
0x3: {  	s0 =	rddreg [dreg:$0x2]  }
0x4: {  	s3 =	simm.s32 $0x0;
	s2 =	srdreg.scid;
	s15 =	simm.s32 $0x1400  }
0x5: {  	s16 =	simm.s32 $0x80;
	s17 =	simm.s32 $0x2800;
	s18 =	simm.s32 $0x6800  }
0x6: {  	s19 =	simm.s32 $0x1;
	s20 =	simm.s32 $0x2;
	s21 =	simm.s32 $0x2700  }
0x7: {  	s22 =	simm.s32 $0x2780;
	[smem:$0x7FF] =	sst s3;
	s7 =	sand.u32 $0x1, s2  }
0x8: {  	s23 =	simm.s32 $0x0;
	s2 =	stileid.u32;
	s8 =	smul.u32 $0x140000, s7  }
0x9: {  	s4 =	sadd.s32 $0x16C00, s6;
	s11 =	sadd.s32 $0x2C00, s6;
	s9 =	smul.u32 $0x14000, s2  }
0xa: {  	s12 =	sadd.s32 $0xCC00, s6;
	s5 =	sadd.s32 $0x3EC00, s6;
	s10 =	smul.u32 $0x50000, s2  }
0xb: {  	_ =	strace $0x8000004D;
	s28 =	ssub.s32 $0x2, s7;
	s14 =	smul.u32 $0x500, s2  }
0xc: {  	p0 =	seq.s32 s7, $0x0;
	s30 =	sshll.u32 s2, $0x6;
	s13 =	sshrl.u32 s28, $0x1  }
0xd: {  	s8 =	sadd.s32 s9, s8;
	s9 =	ssub.s32 s28, s13;
	s29 =	sshrl.u32 s10, $0x2  }
0xe: {  	s10 =	sadd.s32 $0x5000, s14;
	s8 =	sshrl.u32 s8, $0x3;
	s31 =	sadd.s32 s29, s1  }
0xf: {  	s10 =	smov.u32 @p0 s14;
	s8 =	sadd.s32 s8, s6;
	s6 =	sor.u32 $0x1C03, s30  }
0x10: {  	s14 =	sadd.s32 $0x280, s10;
	s13 =	sshrl.u32 s31, $0x3;
	s7 =	sadd.s32 $0x41400, s8  }
0x11: {  	s8 =	smax.u32 s9, $0x1;
	s9 =	sadd.s32 s11, s10;
	s10 =	sadd.s32 s12, s10  }
0x12: {  	s11 =	sadd.s32 s11, s14;
	s12 =	sadd.s32 s12, s14;
	s14 =	simm.s32 $0x3  }
.LBB2_1:
0x13: {  	[spmem:s13], [sflag:s6] =	dma.local [hbm:s5], $0x2800  }
0x14: {  	_ =	swait.ge [sflag:s14], $0x2800  }
0x15: {  	[sflag:s14] =	ssyncset.done $0x0  }
0x16: {  	[sflag:s14] =	ssyncadd.s32 $0xFFFFD800  }
0x17: {  	[bflag:$0x0] =	sbarrier.arrive $0xFFFF  }
0x18: {  	[tilespmem:s3], [sflag:$0x3] =	stream.linear.gather [hbm4b:s9+s3], $0x1400, $0x38;
	[tilespmem:$0x1E800] =	vst v63  }
0x19: {  	_ =	swait.ge [sflag:s14], $0x1400  }
0x1a: {  	[sflag:s14] =	ssyncset.done $0x0  }
0x1b: {  	[sflag:s14] =	ssyncadd.s32 $0xFFFFEC00  }
0x1c: {  	[tilespmem:s15], [sflag:$0x3] =	stream.linear.gather [hbm4b:s10+s3], $0x1400, $0x38;
	[tilespmem:$0x1E800] =	vst v63  }
0x1d: {  	_ =	swait.ge [sflag:s14], $0x1400  }
0x1e: {  	[sflag:s14] =	ssyncset.done $0x0  }
0x1f: {  	[sflag:s14] =	ssyncadd.s32 $0xFFFFEC00  }
0x20: {  	[tilespmem:s17], [sflag:$0x1] =	stream.indirect.gather [hbm4b:s4+s16], $0x80, s3, s16, $0xb8;
	[tilespmem:$0x1E800] =	vst v63  }
0x21: {  	_ = 	snop  }
0x22: {  	[tilespmem:s18], [sflag:$0x2] =	stream.indirect.gather [hbm4b:s4+s16], $0x80, s16, s16, $0xb8;
	[tilespmem:$0x1E800] =	vst v63  }
0x23: {  	_ =	swait.ge [sflag:s19], $0x4000  }
0x24: {  	[sflag:s19] =	ssyncset.done $0x0  }
0x25: {  	s24 =	simm.s32 $0x1400;
	[sflag:s19] =	ssyncadd.s32 $0xFFFFC000  }
0x26: {  	[spmem:s1] =	stream.indirect.scatter.add.f32 [tilespmem:s17], [sflag:$0x3], $0x80, s24, s16, $0xb8;
	[tilespmem:$0x1E800] =	vst v63  }
0x27: {  	_ =	swait.ge [sflag:s14], $0x4000  }
0x28: {  	[sflag:s14] =	ssyncset.done $0x0  }
0x29: {  	s30 =	simm.s32 $0x100;
	[sflag:s14] =	ssyncadd.s32 $0xFFFFC000  }
0x2a: {  	[tilespmem:s17], [sflag:$0x1] =	stream.indirect.gather [hbm4b:s4+s16], $0x80, s30, s16, $0xb8;
	[tilespmem:$0x1E800] =	vst v63  }
0x2b: {  	_ =	swait.ge [sflag:s20], $0x4000  }
0x2c: {  	[sflag:s20] =	ssyncset.done $0x0  }
0x2d: {  	s31 =	simm.s32 $0x1480;
	[sflag:s20] =	ssyncadd.s32 $0xFFFFC000  }
0x2e: {  	[spmem:s1] =	stream.indirect.scatter.add.f32 [tilespmem:s18], [sflag:$0x3], $0x80, s31, s16, $0xb8;
	[tilespmem:$0x1E800] =	vst v63  }
0x2f: {  	_ =	swait.ge [sflag:s14], $0x4000  }
0x30: {  	[sflag:s14] =	ssyncset.done $0x0  }
0x31: {  	s25 =	simm.s32 $0x180;
	s24 =	simm.s32 $0x400;
	[sflag:s14] =	ssyncadd.s32 $0xFFFFC000  }
.LBB2_2:
0x32: {  	[tilespmem:s18], [sflag:$0x2] =	stream.indirect.gather [hbm4b:s4+s16], $0x80, s25, s16, $0xb8;
	[tilespmem:$0x1E800] =	vst v63  }
0x33: {  	s25 =	smov.u32 s24  }
0x34: {  	p0 =	sne.s32 s24, $0x4800;
	s24 =	sadd.s32 $0x400, s24;
	_ =	swait.ge [sflag:s19], $0x4000  }
0x35: {  	s25 =	sshra.s32 s25, $0x2;
	[sflag:s19] =	ssyncset.done $0x0  }
0x36: {  	s26 =	sadd.s32 $0x1400, s25;
	[sflag:s19] =	ssyncadd.s32 $0xFFFFC000  }
0x37: {  	[spmem:s1] =	stream.indirect.scatter.add.f32 [tilespmem:s17], [sflag:$0x3], $0x80, s26, s16, $0xb8;
	[tilespmem:$0x1E800] =	vst v63  }
0x38: {  	_ =	swait.ge [sflag:s14], $0x4000  }
0x39: {  	[sflag:s14] =	ssyncset.done $0x0  }
0x3a: {  	s26 =	sadd.s32 $0x100, s25;
	[sflag:s14] =	ssyncadd.s32 $0xFFFFC000  }
0x3b: {  	[tilespmem:s17], [sflag:$0x1] =	stream.indirect.gather [hbm4b:s4+s16], $0x80, s26, s16, $0xb8;
	[tilespmem:$0x1E800] =	vst v63  }
0x3c: {  	_ =	swait.ge [sflag:s20], $0x4000  }
0x3d: {  	[sflag:s20] =	ssyncset.done $0x0  }
.Ltmp0:
0x3e: {  	s26 =	sadd.s32 $0x1480, s25;
	[sflag:s20] =	ssyncadd.s32 $0xFFFFC000;
	(pc) =	sbr.rel @p0 .LBB2_2-.Ltmp0, $4  }
0x3f: {  	[spmem:s1] =	stream.indirect.scatter.add.f32 [tilespmem:s18], [sflag:$0x3], $0x80, s26, s16, $0xb8;
	[tilespmem:$0x1E800] =	vst v63  }
0x40: {  	_ =	swait.ge [sflag:s14], $0x4000  }
0x41: {  	[sflag:s14] =	ssyncset.done $0x0  }
0x42: {  	s25 =	sadd.s32 $0x180, s25;
	[sflag:s14] =	ssyncadd.s32 $0xFFFFC000  }
0x43: {  	[tilespmem:s18], [sflag:$0x2] =	stream.indirect.gather [hbm4b:s4+s16], $0x80, s25, s16, $0xb8;
	[tilespmem:$0x1E800] =	vst v63  }
0x44: {  	_ =	swait.ge [sflag:s19], $0x4000  }
0x45: {  	[sflag:s19] =	ssyncset.done $0x0  }
0x46: {  	[sflag:s19] =	ssyncadd.s32 $0xFFFFC000  }
0x47: {  	[spmem:s1] =	stream.indirect.scatter.add.f32 [tilespmem:s17], [sflag:$0x3], $0x80, s21, s16, $0xb8;
	[tilespmem:$0x1E800] =	vst v63  }
0x48: {  	_ =	swait.ge [sflag:s14], $0x4000  }
0x49: {  	[sflag:s14] =	ssyncset.done $0x0  }
0x4a: {  	[sflag:s14] =	ssyncadd.s32 $0xFFFFC000  }
0x4b: {  	_ =	swait.ge [sflag:s20], $0x4000  }
0x4c: {  	[sflag:s20] =	ssyncset.done $0x0  }
0x4d: {  	[sflag:s20] =	ssyncadd.s32 $0xFFFFC000  }
0x4e: {  	[spmem:s1] =	stream.indirect.scatter.add.f32 [tilespmem:s18], [sflag:$0x3], $0x80, s22, s16, $0xb8;
	[tilespmem:$0x1E800] =	vst v63  }
0x4f: {  	_ =	swait.ge [sflag:s14], $0x4000  }
0x50: {  	[sflag:s14] =	ssyncset.done $0x0  }
0x51: {  	s24 =	simm.s32 $0x0;
	[sflag:s14] =	ssyncadd.s32 $0xFFFFC000  }
0x52: {  	[tilespmem:s24], [sflag:$0x3] =	stream.linear.gather [hbm4b:s11+s24], $0x1400, $0x38;
	[tilespmem:$0x1E800] =	vst v63  }
0x53: {  	_ =	swait.ge [sflag:s14], $0x1400  }
0x54: {  	[sflag:s14] =	ssyncset.done $0x0  }
0x55: {  	[sflag:s14] =	ssyncadd.s32 $0xFFFFEC00  }
0x56: {  	[tilespmem:s15], [sflag:$0x3] =	stream.linear.gather [hbm4b:s12+s24], $0x1400, $0x38;
	[tilespmem:$0x1E800] =	vst v63  }
0x57: {  	_ =	swait.ge [sflag:s14], $0x1400  }
0x58: {  	[sflag:s14] =	ssyncset.done $0x0  }
0x59: {  	[sflag:s14] =	ssyncadd.s32 $0xFFFFEC00  }
0x5a: {  	[tilespmem:s17], [sflag:$0x1] =	stream.indirect.gather [hbm4b:s4+s16], $0x80, s24, s16, $0xb8;
	[tilespmem:$0x1E800] =	vst v63  }
0x5b: {  	_ = 	snop  }
0x5c: {  	[tilespmem:s18], [sflag:$0x2] =	stream.indirect.gather [hbm4b:s4+s16], $0x80, s16, s16, $0xb8;
	[tilespmem:$0x1E800] =	vst v63  }
0x5d: {  	_ =	swait.ge [sflag:s19], $0x4000  }
0x5e: {  	[sflag:s19] =	ssyncset.done $0x0  }
0x5f: {  	s29 =	simm.s32 $0x1400;
	[sflag:s19] =	ssyncadd.s32 $0xFFFFC000  }
0x60: {  	[spmem:s1] =	stream.indirect.scatter.add.f32 [tilespmem:s17], [sflag:$0x3], $0x80, s29, s16, $0xb8;
	[tilespmem:$0x1E800] =	vst v63  }
0x61: {  	_ =	swait.ge [sflag:s14], $0x4000  }
0x62: {  	[sflag:s14] =	ssyncset.done $0x0  }
0x63: {  	s30 =	simm.s32 $0x100;
	[sflag:s14] =	ssyncadd.s32 $0xFFFFC000  }
0x64: {  	[tilespmem:s17], [sflag:$0x1] =	stream.indirect.gather [hbm4b:s4+s16], $0x80, s30, s16, $0xb8;
	[tilespmem:$0x1E800] =	vst v63  }
0x65: {  	_ =	swait.ge [sflag:s20], $0x4000  }
0x66: {  	[sflag:s20] =	ssyncset.done $0x0  }
0x67: {  	s31 =	simm.s32 $0x1480;
	[sflag:s20] =	ssyncadd.s32 $0xFFFFC000  }
0x68: {  	[spmem:s1] =	stream.indirect.scatter.add.f32 [tilespmem:s18], [sflag:$0x3], $0x80, s31, s16, $0xb8;
	[tilespmem:$0x1E800] =	vst v63  }
0x69: {  	_ =	swait.ge [sflag:s14], $0x4000  }
0x6a: {  	[sflag:s14] =	ssyncset.done $0x0  }
0x6b: {  	s25 =	simm.s32 $0x180;
	s24 =	simm.s32 $0x400;
	[sflag:s14] =	ssyncadd.s32 $0xFFFFC000  }
.LBB2_4:
0x6c: {  	[tilespmem:s18], [sflag:$0x2] =	stream.indirect.gather [hbm4b:s4+s16], $0x80, s25, s16, $0xb8;
	[tilespmem:$0x1E800] =	vst v63  }
0x6d: {  	s25 =	smov.u32 s24  }
0x6e: {  	p0 =	sne.s32 s24, $0x4800;
	s24 =	sadd.s32 $0x400, s24;
	_ =	swait.ge [sflag:s19], $0x4000  }
0x6f: {  	s25 =	sshra.s32 s25, $0x2;
	[sflag:s19] =	ssyncset.done $0x0  }
0x70: {  	s26 =	sadd.s32 $0x1400, s25;
	[sflag:s19] =	ssyncadd.s32 $0xFFFFC000  }
0x71: {  	[spmem:s1] =	stream.indirect.scatter.add.f32 [tilespmem:s17], [sflag:$0x3], $0x80, s26, s16, $0xb8;
	[tilespmem:$0x1E800] =	vst v63  }
0x72: {  	_ =	swait.ge [sflag:s14], $0x4000  }
0x73: {  	[sflag:s14] =	ssyncset.done $0x0  }
0x74: {  	s26 =	sadd.s32 $0x100, s25;
	[sflag:s14] =	ssyncadd.s32 $0xFFFFC000  }
0x75: {  	[tilespmem:s17], [sflag:$0x1] =	stream.indirect.gather [hbm4b:s4+s16], $0x80, s26, s16, $0xb8;
	[tilespmem:$0x1E800] =	vst v63  }
0x76: {  	_ =	swait.ge [sflag:s20], $0x4000  }
0x77: {  	[sflag:s20] =	ssyncset.done $0x0  }
.Ltmp1:
0x78: {  	s26 =	sadd.s32 $0x1480, s25;
	[sflag:s20] =	ssyncadd.s32 $0xFFFFC000;
	(pc) =	sbr.rel @p0 .LBB2_4-.Ltmp1, $4  }
0x79: {  	[spmem:s1] =	stream.indirect.scatter.add.f32 [tilespmem:s18], [sflag:$0x3], $0x80, s26, s16, $0xb8;
	[tilespmem:$0x1E800] =	vst v63  }
0x7a: {  	_ =	swait.ge [sflag:s14], $0x4000  }
0x7b: {  	[sflag:s14] =	ssyncset.done $0x0  }
0x7c: {  	s25 =	sadd.s32 $0x180, s25;
	[sflag:s14] =	ssyncadd.s32 $0xFFFFC000  }
0x7d: {  	[tilespmem:s18], [sflag:$0x2] =	stream.indirect.gather [hbm4b:s4+s16], $0x80, s25, s16, $0xb8;
	[tilespmem:$0x1E800] =	vst v63  }
0x7e: {  	_ =	swait.ge [sflag:s19], $0x4000  }
0x7f: {  	[sflag:s19] =	ssyncset.done $0x0  }
0x80: {  	[sflag:s19] =	ssyncadd.s32 $0xFFFFC000  }
0x81: {  	[spmem:s1] =	stream.indirect.scatter.add.f32 [tilespmem:s17], [sflag:$0x3], $0x80, s21, s16, $0xb8;
	[tilespmem:$0x1E800] =	vst v63  }
0x82: {  	_ =	swait.ge [sflag:s14], $0x4000  }
0x83: {  	[sflag:s14] =	ssyncset.done $0x0  }
0x84: {  	[sflag:s14] =	ssyncadd.s32 $0xFFFFC000  }
0x85: {  	_ =	swait.ge [sflag:s20], $0x4000  }
0x86: {  	[sflag:s20] =	ssyncset.done $0x0  }
0x87: {  	[sflag:s20] =	ssyncadd.s32 $0xFFFFC000  }
0x88: {  	[spmem:s1] =	stream.indirect.scatter.add.f32 [tilespmem:s18], [sflag:$0x3], $0x80, s22, s16, $0xb8;
	[tilespmem:$0x1E800] =	vst v63  }
0x89: {  	_ =	swait.ge [sflag:s14], $0x4000  }
0x8a: {  	s23 =	sadd.s32 $0x1, s23;
	[sflag:s14] =	ssyncset.done $0x0  }
0x8b: {  	p0 =	sne.s32 s23, s8;
	[sflag:s14] =	ssyncadd.s32 $0xFFFFC000  }
.Ltmp2:
0x8c: {  	[bflag:$0x0] =	sbarrier.arrive $0xFFFF;
	(pc) =	sbr.rel @p0 .LBB2_1-.Ltmp2, $4  }
0x8d: {  	[hbm:s7], [sflag:s6] =	dma.local [spmem:s13], $0x2800  }
0x8e: {  	_ =	swait.ge [sflag:s14], $0x2800  }
0x8f: {  	[sflag:s14] =	ssyncset.done $0x0  }
0x90: {  	[sflag:s14] =	ssyncadd.s32 $0xFFFFD800  }
0x91: {  	_ =	sfence.sel $0x180000  }
0x92: {  	[bflag:$0x0] =	sbarrier.arrive $0xFFFF  }
0x93: {  	p0 =	sne.s32 s2, $0x0;
	_ =	strace $0x9000004D  }
0x94: {  	s0 =	sadd.s32 @!p0 $0x100000, s0;
	[bflag:$0x2] =	sbarrier.arrive $0xFFFF  }
0x95: {  	[sflag:s0] =	ssyncadd.tile.s32 @!p0 $0x1;
	_ =	shalt  }
.Lfunc_end2:
_tile_overlayer_lowered:
.L_overlay_start_2:
0x96: {  	(tag) =	ssettag $0x2  }
0x97: {  	s0 =	rddreg [dreg:$0x0];
	s2 =	stileid.u32  }
0x98: {  	s1 =	rddreg [dreg:$0x1];
	p0 =	sne.s32 s2, $0x0  }
0x99: {  	s3 =	rddreg [dreg:$0x2];
	[bflag:$0x3] =	sbarrier.arrive $0xFFFF;
	s2 =	simm.s32 @!p0 $0x1C03  }
0x9a: {  	[timem:s3], [sflag:s2] =	dma.local @!p0 [hbm:s0], s1  }
0x9b: {  	s0 =	simm.s32 @!p0 $0x3  }
0x9c: {  	_ =	swait.ge @!p0 [sflag:s0], s1  }
0x9d: {  	s1 =	ssub.s32 @!p0 $0x0, s1;
	[sflag:s0] =	ssyncset.done @!p0 $0x0  }
0x9e: {  	[sflag:s0] =	ssyncadd.s32 @!p0 s1  }
0x9f: {  	[bflag:$0x3] =	sbarrier.arrive $0xFFFF  }
0xa0: {  	_ =	shalt  }

// kernel: kernel.8.cloned.1.call-start
scs
__scs_entry_jumppad:
0x0: {  	(pc) =	sbr.rel $0x88, $3  }
0x1: {  	(tag) =	ssettag $0x0;
	lr =	simm.s32 $0x1  }
0x2: {  	[smem:$0x3F98] =	sst lr;
	_ =	strace $0xD0000000  }
0x3: {  	_ = 	snop  }
0x4: {  	_ = 	snop  }
0x5: {  	_ = 	snop  }
0x6: {  	_ = 	snop  }
0x7: {  	_ = 	snop  }
__scs_overlays_trampoline_lowered:
0x8: {  	[smem:$0x3FA7] =	sst s0  }
0x9: {  	[smem:$0x3FA8] =	sst s1  }
0xa: {  	[smem:$0x3FA9] =	sst s2  }
0xb: {  	[smem:$0x3FAA] =	sst s3  }
0xc: {  	[smem:$0x3FAB] =	sst s4  }
0xd: {  	[smem:$0x3FAC] =	sst s5  }
0xe: {  	[smem:$0x3FAD] =	sst s6  }
0xf: {  	[smem:$0x3FAE] =	sst s7  }
0x10: {  	[smem:$0x3FAF] =	sst s8  }
0x11: {  	[smem:$0x3FB0] =	sst s9;
	s0 =	simm.s32 @!p0 $0x0  }
0x12: {  	s1 =	sld [smem:$0x3F96];
	s0 =	simm.s32 @p0 $0x1  }
0x13: {  	[smem:$0x3FB1] =	sst s0;
	s0 =	simm.s32 @!p1 $0x0  }
0x14: {  	s2 =	sld [smem:$0x3F95];
	s0 =	simm.s32 @p1 $0x1  }
0x15: {  	[smem:$0x3FB2] =	sst s0;
	s0 =	simm.s32 @!p2 $0x0  }
0x16: {  	s3 =	sld [smem:$0x3FDB];
	s0 =	simm.s32 @p2 $0x1  }
0x17: {  	s4 =	simm.s32 $0x1BF5;
	[smem:$0x3FB4] =	sst s0  }
0x18: {  	s0 =	sld [smem:$0x3F97];
	_ =	swait.ge [sflag:s4], $0x0  }
0x19: {  	s7 =	sld [smem:$0x3F98]  }
0x1a: {  	s8 =	sadd.s32 $0xFFFFE003, lr  }
0x1b: {  	s9 =	sadd.s32 $0xFFFFFEF7, lr;
	s5 =	simm.s32 $0xFFFFFFFF;
	p2 =	slt.u32 s8, $0xFFFFF086  }
0x1c: {  	p1 =	slt.u32 s9, $0xF7A;
	s5 =	simm.s32 @!p2 $0x0  }
0x1d: {  	s5 =	simm.s32 @p1 $0x1;
	p0 =	seq.s32 s7, s2  }
0x1e: {  	s7 =	smul.u32 @!p0 $0xF7A, s2;
	p2 =	seq.s32 @!p0 s5, $0x0  }
0x1f: {  	s9 =	smul.u32 $0xF7A, s1;
	s8 =	simm.s32 @!p0 $0x1BF5;
	p2 =	por !p2, p0  }
0x20: {  	[sflag:s8] =	ssyncset.s32 @!p0 $0xFFFFF086;
	s6 =	sadd.s32 @!p0 s3, s7;
	s7 =	simm.s32 @!p0 $0x108  }
0x21: {  	s3 =	sadd.s32 s3, s9;
	s6 =	sadd.s32 @!p0 $0x88, s6;
	s7 =	simm.s32 @p2 $0x1082  }
0x22: {  	[simem:s7], [sflag:s8] =	dma.local @!p0 [hbm:s6], $0xF7A  }
0x23: {  	s9 =	sor.u32 $0xD0000000, s2;
	s6 =	simm.s32 $0x108;
	_ =	swait.ge @!p0 [sflag:s8], $0x0  }
0x24: {  	s3 =	sadd.s32 $0x88, s3;
	s6 =	simm.s32 @!p1 $0x1082;
	[sflag:s4] =	ssyncset.s32 $0xFFFFF086  }
0x25: {  	[simem:s6], [sflag:s4] =	dma.local [hbm:s3], $0xF7A  }
0x26: {  	[smem:$0x3F98] =	sst s1;
	(tag) =	ssettag s2;
	_ =	strace s9  }
0x27: {  	s1 =	sld [smem:$0x3FA8]  }
0x28: {  	s2 =	sld [smem:$0x3FA9]  }
0x29: {  	s4 =	sld [smem:$0x3FAB]  }
0x2a: {  	p0 =	seq.s32 s5, $0x0;
	s5 =	sld [smem:$0x3FAC]  }
0x2b: {  	s6 =	sld [smem:$0x3FAD]  }
0x2c: {  	s7 =	sld [smem:$0x3FAE]  }
0x2d: {  	s3 =	simm.s32 $0x108;
	s8 =	sld [smem:$0x3FAF]  }
0x2e: {  	s3 =	simm.s32 @!p0 $0x1082;
	s9 =	sld [smem:$0x3FB0]  }
0x2f: {  	lr =	sadd.s32 s0, s3;
	s0 =	sld [smem:$0x3FA7]  }
0x30: {  	s3 =	sld [smem:$0x3FAA]  }
0x31: {  	[smem:$0x3FB3] =	sst s10  }
0x32: {  	s10 =	sld [smem:$0x3FB1];
	_ =	sdelay $0x3  }
0x33: {  	p0 =	seq.s32 s10, $0x1;
	s10 =	sld [smem:$0x3FB3];
	_ =	sdelay $0x3  }
0x34: {  	[smem:$0x3FB3] =	sst s10  }
0x35: {  	s10 =	sld [smem:$0x3FB2];
	_ =	sdelay $0x3  }
0x36: {  	p1 =	seq.s32 s10, $0x1;
	s10 =	sld [smem:$0x3FB3];
	_ =	sdelay $0x3  }
0x37: {  	[smem:$0x3FB3] =	sst s10  }
0x38: {  	s10 =	sld [smem:$0x3FB4]  }
0x39: {  	_ = 	snop;
	(pc) =	sbr.ind lr, $3  }
0x3a: {  	_ = 	snop  }
0x3b: {  	_ = 	snop  }
0x3c: {  	p2 =	seq.s32 s10, $0x1;
	s10 =	sld [smem:$0x3FB3]  }
0x3d: {  	_ =	shalt  }
0x3e: {  	_ =	shalt  }
0x3f: {  	_ =	shalt  }
0x40: {  	_ =	shalt  }
0x41: {  	_ =	shalt  }
0x42: {  	_ =	shalt  }
0x43: {  	_ =	shalt  }
0x44: {  	_ =	shalt  }
0x45: {  	_ =	shalt  }
0x46: {  	_ =	shalt  }
0x47: {  	_ =	shalt  }
0x48: {  	_ =	shalt  }
0x49: {  	_ =	shalt  }
0x4a: {  	_ =	shalt  }
0x4b: {  	_ =	shalt  }
0x4c: {  	_ =	shalt  }
0x4d: {  	_ =	shalt  }
0x4e: {  	_ =	shalt  }
0x4f: {  	_ =	shalt  }
0x50: {  	_ =	shalt  }
0x51: {  	_ =	shalt  }
0x52: {  	_ =	shalt  }
0x53: {  	_ =	shalt  }
0x54: {  	_ =	shalt  }
0x55: {  	_ =	shalt  }
0x56: {  	_ =	shalt  }
0x57: {  	_ =	shalt  }
0x58: {  	_ =	shalt  }
0x59: {  	_ =	shalt  }
0x5a: {  	_ =	shalt  }
0x5b: {  	_ =	shalt  }
0x5c: {  	_ =	shalt  }
0x5d: {  	_ =	shalt  }
0x5e: {  	_ =	shalt  }
0x5f: {  	_ =	shalt  }
0x60: {  	_ =	shalt  }
0x61: {  	_ =	shalt  }
0x62: {  	_ =	shalt  }
0x63: {  	_ =	shalt  }
0x64: {  	_ =	shalt  }
0x65: {  	_ =	shalt  }
0x66: {  	_ =	shalt  }
0x67: {  	_ =	shalt  }
0x68: {  	_ =	shalt  }
0x69: {  	_ =	shalt  }
0x6a: {  	_ =	shalt  }
0x6b: {  	_ =	shalt  }
0x6c: {  	_ =	shalt  }
0x6d: {  	_ =	shalt  }
0x6e: {  	_ =	shalt  }
0x6f: {  	_ =	shalt  }
0x70: {  	_ =	shalt  }
0x71: {  	_ =	shalt  }
0x72: {  	_ =	shalt  }
0x73: {  	_ =	shalt  }
0x74: {  	_ =	shalt  }
0x75: {  	_ =	shalt  }
0x76: {  	_ =	shalt  }
0x77: {  	_ =	shalt  }
0x78: {  	_ =	shalt  }
0x79: {  	_ =	shalt  }
0x7a: {  	_ =	shalt  }
0x7b: {  	_ =	shalt  }
0x7c: {  	_ =	shalt  }
0x7d: {  	_ =	shalt  }
0x7e: {  	_ =	shalt  }
0x7f: {  	_ =	shalt  }
0x80: {  	_ =	shalt  }
0x81: {  	_ =	shalt  }
0x82: {  	_ =	shalt  }
0x83: {  	_ =	shalt  }
0x84: {  	_ =	shalt  }
0x85: {  	_ =	shalt  }
0x86: {  	_ =	shalt  }
0x87: {  	_ =	shalt  }
.Lfunc_end0:
.L_simem_size_0:
called_computation_lowered:
.L_overlay_start_0:
0x88: {  	s2 =	sld [smem:$0x3FD9]  }
0x89: {  	s3 =	sld [smem:$0x3FFE];
	_ =	sdelay $0x1  }
0x8a: {  	s1 =	srdreg.scid  }
0x8b: {  	s0 =	sand.u32 $0x1, s1  }
0x8c: {  	s16 =	sshll.u32 s0, $0xA;
	s2 =	sadd.s32 s3, s2  }
0x8d: {  	s2 =	sadd.s32 s2, s16  }
0x8e: {  	[smem:$0x3FBF] =	sst s2  }
0x8f: {  	_ = 	snop  }
0x90: {  	(tm) =	ssettm $0x1  }
0x91: {  	s17 =	sld [smem:$0x3FFB];
	_ =	sdelay $0x3  }
0x92: {  	_ =	strace s17  }
0x93: {  	s2 =	sld [smem:$0x3FFC];
	_ =	sdelay $0x3  }
0x94: {  	_ =	strace s2  }
0x95: {  	s2 =	sld [smem:$0x3FFD];
	_ =	sdelay $0x3  }
0x96: {  	_ =	strace s2  }
0x97: {  	_ =	strace $0x8FFFFFFF  }
0x98: {  	s18 =	sld [smem:$0x3FDB];
	_ =	sdelay $0x1  }
0x99: {  	s19 =	simm.s32 $_scs_section_size  }
0x9a: {  	s4 =	simm.s32 $_size__tile_overlayer_lowered;
	s5 =	simm.s32 $_tile_overlayer_lowered  }
0x9b: {  	s22 =	simm.s32 $0x1BFF;
	s21 =	sshll.u32 s5, $0x1;
	s2 =	sadd.s32 s19, s18  }
0x9c: {  	s6 =	simm.s32 $0x0;
	s20 =	sshll.u32 s4, $0x1;
	s4 =	sadd.s32 s21, s2  }
0x9d: {  	[timem:s6], [sflag:s22] =	dma.local [hbm:s4], s20  }
0x9e: {  	_ =	swait.ge [sflag:s22], s20  }
0x9f: {  	s3 =	ssub.s32 $0x0, s20;
	[sflag:s22] =	ssyncset.done $0x0  }
0xa0: {  	[sflag:s22] =	ssyncadd.s32 s3;
	_ =	sdelay $0x1  }
0xa1: {  	s23 =	simm.s32 $0x1B8B  }
0xa2: {  	_ =	swait.ge [sflag:s23], $0x1  }
0xa3: {  	[sflag:s23] =	ssyncset.done $0x0  }
0xa4: {  	s25 =	simm.s32 $0x1B8E;
	s24 =	sld [smem:$0x3FFE];
	[sflag:s23] =	ssyncadd.s32 $0xFFFFFFFF  }
0xa5: {  	s26 =	simm.s32 $execute0_lowered;
	[smem:$0x3FD2] =	sst s25  }
0xa6: {  	s4 =	sshll.u32 s26, $0x1;
	_ =	strace $0x80000046;
	[dreg:$0x1] =	wrdreg $0xFFFFFFFF  }
0xa7: {  	s28 =	simm.s32 $_size_execute0_lowered;
	s2 =	sadd.s32 s2, s4;
	[dreg:$0x0] =	wrdreg $0x0  }
0xa8: {  	s4 =	sshll.u32 s28, $0x1;
	[dreg:$0x2] =	wrdreg s2  }
0xa9: {  	[dreg:$0x3] =	wrdreg s4  }
0xaa: {  	[dreg:$0x4] =	wrdreg $0xC0  }
0xab: {  	_ =	task [dreg:s6], $0x5FFFF  }
0xac: {  	[dreg:$0x1] =	wrdreg $0xFFFFFFFF  }
0xad: {  	[dreg:$0x0] =	wrdreg $0x60  }
0xae: {  	[dreg:$0x2] =	wrdreg s24  }
0xaf: {  	[dreg:$0x3] =	wrdreg $0x28800  }
0xb0: {  	[dreg:$0x4] =	wrdreg $0x9  }
0xb1: {  	_ =	task.clear_ibuf [dreg:s6], $0x5FFFF;
	_ =	strace $0x90000046  }
0xb2: {  	s29 =	simm.s32 $0x9;
	_ =	strace $0x80000048  }
0xb3: {  	_ =	swait.ge [sflag:s29], $0x1  }
0xb4: {  	[sflag:s29] =	ssyncadd.s32 $0xFFFFFFFF  }
0xb5: {  	_ =	strace $0x90000048  }
0xb6: {  	_ =	sfence  }
0xb7: {  	s30 =	sld [smem:$0x0];
	_ =	sdelay $0x2  }
0xb8: {  	s31 =	sshll.u32 s1, $0xD;
	s1 =	sshrl.u32 s1, $0x2  }
0xb9: {  	s3 =	sand.u32 $0x4000, s31;
	s1 =	sadd.s32 s1, s30  }
0xba: {  	s0 =	sor.u32 s3, s0;
	s1 =	sshll.u32 s1, $0x11  }
0xbb: {  	s0 =	sor.u32 s1, s0  }
0xbc: {  	s0 =	sadd.s32 $0x8F2B, s0  }
0xbd: {  	[sflag:s0] =	ssyncadd.remote.s32 $0x1  }
0xbe: {  	_ =	sfence.sel $0xFFFF  }
0xbf: {  	[dreg:$0x0] =	wrdreg $0xFFFFFFFF;
	(pc) =	sbr.abs _section_cstart, $3  }
0xc0: {  	[dreg:$0x1] =	wrdreg $0xFFFFFFFF  }
0xc1: {  	_ =	task.clear_ibuf [dreg:s6], $0x2FFFF;
	_ =	strace $0x9FFFFFFF  }
0xc2: {  	(tm) =	ssettm $0x7FFFFFFF  }
0xc3: {  	_ =	shalt  }
tec
execute0_lowered:
.L_overlay_start_1:
0x0: {  	(tag) =	ssettag $0x1  }
0x1: {  	s1 =	srdreg.scid;
	s5 =	rddreg [dreg:$0x0]  }
0x2: {  	s0 =	stileid.u32;
	s2 =	rddreg [dreg:$0x1]  }
0x3: {  	s3 =	simm.s32 $0x0;
	s11 =	simm.s32 $0x80;
	s12 =	simm.s32 $0x2800  }
0x4: {  	s13 =	simm.s32 $0x20;
	s14 =	simm.s32 $0x10;
	s15 =	simm.s32 $0x0  }
0x5: {  	s4 =	sand.u32 $0x1, s1;
	s26 =	sshll.u32 s0, $0x1;
	s7 =	smul.u32 $0x500, s0  }
0x6: {  	[smem:$0x7FF] =	sst s3;
	s9 =	smul.u32 $0xA00, s0;
	s31 =	sshll.u32 s0, $0x6  }
0x7: {  	s1 =	sor.u32 s4, s26;
	s8 =	sshll.u32 s4, $0x7;
	s28 =	ssub.s32 $0x2, s4  }
0x8: {  	s4 =	sadd.s32 $0x16C00, s5;
	s6 =	smul.u32 $0x500, s1;
	s1 =	rddreg [dreg:$0x2]  }
0x9: {  	_ =	strace $0x80000047;
	s7 =	sor.u32 s8, s7;
	s29 =	sshrl.u32 s28, $0x1  }
0xa: {  	s30 =	sshrl.u32 s9, $0x2;
	s7 =	sshrl.u32 s7, $0x3;
	s8 =	ssub.s32 s28, s29  }
0xb: {  	s10 =	sadd.s32 s30, s2;
	s6 =	sadd.s32 s6, s5;
	s7 =	sadd.s32 s7, s5  }
0xc: {  	s5 =	sor.u32 $0x1C01, s31;
	s8 =	smax.u32 s8, $0x1;
	s9 =	sshrl.u32 s10, $0x3  }
0xd: {  	v0 =	vimm.f32 $1.000000000e+00;
	s10 =	simm.s32 $0x1;
	s6 =	sadd.s32 $0xCC00, s6;
	s7 =	sadd.s32 $0x16E00, s7  }
.LBB2_1:
0xe: {  	[spmem:s9], [sflag:s5] =	dma.local [hbm:s4], $0x50  }
0xf: {  	_ =	swait.ge [sflag:s10], $0x50  }
0x10: {  	[sflag:s10] =	ssyncset.done $0x0  }
0x11: {  	[sflag:s10] =	ssyncadd.s32 $0xFFFFFFB0  }
0x12: {  	[tilespmem:$0x2800] =	vst v0  }
0x13: {  	[tilespmem:$0x2810] =	vst v0  }
0x14: {  	[tilespmem:$0x2820] =	vst v0  }
0x15: {  	[tilespmem:$0x2830] =	vst v0  }
0x16: {  	[tilespmem:$0x2840] =	vst v0  }
0x17: {  	[tilespmem:$0x2850] =	vst v0  }
0x18: {  	[tilespmem:$0x2860] =	vst v0  }
0x19: {  	[tilespmem:$0x2870] =	vst v0  }
0x1a: {  	[tilespmem:s3], [sflag:$0x1] =	stream.linear.gather [hbm4b:s6+s3], $0x2800, $0x38;
	[tilespmem:$0x2B00] =	vst v63  }
0x1b: {  	_ =	swait.ge [sflag:s10], $0x2800  }
0x1c: {  	[sflag:s10] =	ssyncset.done $0x0  }
0x1d: {  	[sflag:s10] =	ssyncadd.s32 $0xFFFFD800  }
0x1e: {  	s16 =	simm.s32 $0x0;
	[bflag:$0x0] =	sbarrier.arrive $0xFFFF  }
0x1f: {  	[spmem:s2] =	stream.indirect.scatter.add.f32 [tilespmem:s12], [sflag:$0x1], $0x1, s16, s11, $0xb8;
	[tilespmem:$0x2B00] =	vst v63  }
0x20: {  	_ =	swait.ge [sflag:s10], $0x80  }
0x21: {  	s16 =	simm.s32 $0x200;
	[sflag:s10] =	ssyncset.done $0x0  }
.LBB2_2:
0x22: {  	s17 =	sshra.s32 s16, $0x2;
	[sflag:s10] =	ssyncadd.s32 $0xFFFFFF80;
	p0 =	sne.s32 s16, $0x9E00  }
0x23: {  	[spmem:s2] =	stream.indirect.scatter.add.f32 [tilespmem:s12], [sflag:$0x1], $0x1, s17, s11, $0xb8;
	[tilespmem:$0x2B00] =	vst v63  }
.Ltmp0:
0x24: {  	_ = 	snop;
	(pc) =	sbr.rel @p0 .LBB2_2-.Ltmp0, $4  }
0x25: {  	_ = 	snop  }
0x26: {  	s16 =	sadd.s32 $0x200, s16  }
0x27: {  	_ =	swait.ge [sflag:s10], $0x80  }
0x28: {  	[sflag:s10] =	ssyncset.done $0x0  }
0x29: {  	s15 =	sadd.s32 $0x1, s15  }
0x2a: {  	[sflag:s10] =	ssyncadd.s32 $0xFFFFFF80;
	p0 =	sne.s32 s15, s8  }
.Ltmp1:
0x2b: {  	[bflag:$0x0] =	sbarrier.arrive $0xFFFF;
	(pc) =	sbr.rel @p0 .LBB2_1-.Ltmp1, $4  }
0x2c: {  	[hbm:s7@s13], [sflag:s5] =	dma.strided [spmem:s9@s14], $0x50, s10, $0x10   }
0x2d: {  	_ =	swait.ge [sflag:s10], $0x50  }
0x2e: {  	[sflag:s10] =	ssyncset.done $0x0  }
0x2f: {  	[sflag:s10] =	ssyncadd.s32 $0xFFFFFFB0  }
0x30: {  	_ =	sfence.sel $0x180000  }
0x31: {  	[bflag:$0x0] =	sbarrier.arrive $0xFFFF  }
0x32: {  	p0 =	sne.s32 s0, $0x0;
	_ =	strace $0x90000047  }
0x33: {  	s0 =	sadd.s32 @!p0 $0x100000, s1;
	[bflag:$0x2] =	sbarrier.arrive $0xFFFF  }
0x34: {  	[sflag:s0] =	ssyncadd.tile.s32 @!p0 $0x1;
	_ =	shalt  }
.Lfunc_end2:
_tile_overlayer_lowered:
.L_overlay_start_2:
0x35: {  	(tag) =	ssettag $0x2  }
0x36: {  	s0 =	rddreg [dreg:$0x0];
	s2 =	stileid.u32  }
0x37: {  	s1 =	rddreg [dreg:$0x1];
	p0 =	sne.s32 s2, $0x0  }
0x38: {  	s3 =	rddreg [dreg:$0x2];
	[bflag:$0x3] =	sbarrier.arrive $0xFFFF;
	s2 =	simm.s32 @!p0 $0x1C01  }
0x39: {  	[timem:s3], [sflag:s2] =	dma.local @!p0 [hbm:s0], s1  }
0x3a: {  	s0 =	simm.s32 @!p0 $0x1  }
0x3b: {  	_ =	swait.ge @!p0 [sflag:s0], s1  }
0x3c: {  	s1 =	ssub.s32 @!p0 $0x0, s1;
	[sflag:s0] =	ssyncset.done @!p0 $0x0  }
0x3d: {  	[sflag:s0] =	ssyncadd.s32 @!p0 s1  }
0x3e: {  	[bflag:$0x3] =	sbarrier.arrive $0xFFFF  }
0x3f: {  	_ =	shalt  }

</sc_bundles>
